<compile_context>
chip_gen: v7x
topology: tpu7x:2x2x1
jax: 0.10.2.dev20260603
libtpu: 0.0.44.dev20260713+nightly
codegen_flags: <defaults>
</compile_context>

<pallas_src>
import functools

import jax
import jax.numpy as jnp
from jax import lax
from jax.experimental import pallas as pl
from jax.experimental.pallas import tpu as pltpu
from jax.experimental.pallas import tpu_sc as plsc

B, T, S = 64, 4096, 16
BB = 16
BIG = 65536.0
N_ELEMS = float(B * T * S)

_INFO = plsc.get_sparse_core_info()
NC, NS = _INFO.num_cores, _INFO.num_subcores


def _bce_main(pred_ref, tgt_ref, m_ref, k_ref, neg_ref, acc_ref):
    g = pl.program_id(0)

    @pl.when(g == 0)
    def _():
        acc_ref[0, 0] = 0.0

    tval = lax.broadcasted_iota(jnp.int32, (S, T), 1).astype(jnp.float32)
    i_col = lax.broadcasted_iota(jnp.int32, (S, 1), 0).astype(jnp.float32)
    eye = (lax.broadcasted_iota(jnp.int32, (S, S), 0) ==
           lax.broadcasted_iota(jnp.int32, (S, S), 1)).astype(jnp.float32)

    total = jnp.zeros((), jnp.float32)
    for bb in range(BB):
        p = pred_ref[bb]
        t = tgt_ref[bb]

        lp = jnp.maximum(jnp.log(p), -100.0)
        l1p = jnp.maximum(jnp.log(1.0 - p), -100.0)
        d = lp - l1p

        m16 = lax.dot_general(t, d, (((1,), (1,)), ((), ())),
                              preferred_element_type=jnp.float32)
        m_ref[bb * S:(bb + 1) * S, :] = m16

        cand = jnp.where(t > 0.0, tval, BIG)
        o_col = jnp.min(cand, axis=1, keepdims=True)

        k_col = o_col * 16.0 + i_col
        kcol = jnp.broadcast_to(k_col, (S, S))
        krow = lax.dot_general(kcol, eye, (((0,), (0,)), ((), ())),
                               preferred_element_type=jnp.float32)
        k_ref[bb:bb + 1, :] = krow[0:1, :]

        total = total - jnp.sum(l1p)

    acc_ref[0, 0] = acc_ref[0, 0] + total

    @pl.when(g == B // BB - 1)
    def _():
        neg_ref[...] = jnp.broadcast_to(
            jnp.reshape(acc_ref[0, 0], (1, 1)), (1, S))


BPS = B // NS


@functools.partial(
    pl.kernel,
    mesh=plsc.VectorSubcoreMesh(core_axis_name="c", subcore_axis_name="s"),
    out_type=jax.ShapeDtypeStruct((S,), jnp.float32),
    compiler_params=pltpu.CompilerParams(needs_layout_passes=False),
    scratch_types=[
        pltpu.VMEM((BPS, S), jnp.float32),
        pltpu.VMEM((BPS * S, S), jnp.float32),
        pltpu.VMEM((S,), jnp.float32),
        pltpu.VMEM((S,), jnp.float32),
        pltpu.VMEM_SHARED((S,), jnp.float32),
    ],
)
def _sc_sort_select(m_hbm, k_hbm, neg_hbm, out_hbm,
                    keys_v, rows_v, acc_v, neg_v, shared):
    cid = lax.axis_index("c")
    sid = lax.axis_index("s")

    @pl.when(cid == 0)
    def _():
        iota = lax.iota(jnp.int32, S)

        @pl.when(sid == 0)
        def _():
            acc_v[...] = jnp.zeros((S,), jnp.float32)
            pltpu.sync_copy(acc_v, shared)
        plsc.subcore_barrier()

        b0 = sid * BPS
        pltpu.sync_copy(k_hbm.at[pl.ds(b0, BPS)], keys_v)
        pltpu.sync_copy(m_hbm.at[pl.ds(b0 * S, BPS * S)], rows_v)
        acc = jnp.zeros((S,), jnp.float32)
        for k in range(BPS):
            _, sigma = plsc.sort_key_val(keys_v[k], iota)
            acc = acc + plsc.load_gather(rows_v, [k * S + sigma, iota])
        acc_v[...] = acc
        pltpu.sync_copy(acc_v, shared.at[lax.iota(jnp.int32, S)], add=True)
        plsc.subcore_barrier()

        @pl.when(sid == 0)
        def _():
            pltpu.sync_copy(shared, acc_v)
            pltpu.sync_copy(neg_hbm.at[0], neg_v)
            cross = jnp.sum(acc_v[...])
            neg_s = jnp.sum(neg_v[...]) * (1.0 / S)
            res = (neg_s - cross) * (1.0 / N_ELEMS)
            acc_v[...] = jnp.full((S,), res, jnp.float32)
            pltpu.sync_copy(acc_v, out_hbm)


@jax.jit
def kernel(predictions, targets):
    pr = jnp.transpose(predictions, (0, 2, 1))
    tg = jnp.transpose(targets, (0, 2, 1))
    spec = pl.BlockSpec((BB, S, T), lambda b: (b, 0, 0))
    m_out, k_out, neg = pl.pallas_call(
        _bce_main,
        grid=(B // BB,),
        in_specs=[spec, spec],
        out_specs=[
            pl.BlockSpec((BB * S, S), lambda b: (b, 0)),
            pl.BlockSpec((BB, S), lambda b: (b, 0)),
            pl.BlockSpec((1, S), lambda b: (0, 0)),
        ],
        out_shape=[
            jax.ShapeDtypeStruct((B * S, S), jnp.float32),
            jax.ShapeDtypeStruct((B, S), jnp.float32),
            jax.ShapeDtypeStruct((1, S), jnp.float32),
        ],
        scratch_shapes=[pltpu.SMEM((1, 1), jnp.float32)],
    )(pr, tg)
    res = _sc_sort_select(m_out, k_out, neg)
    return res[0]

# --- scband reference (transcript-rebuilt; emitter-appended) ---
"""Pipeline reference for scband-sorted-bceloss-10900626997793 (READ-ONLY COPY).

The authoritative reference and input builder live on the scoring server;
editing this copy changes nothing except your own understanding.
"""

import jax, jax.numpy as jnp
import numpy as np

B, T, S = 64, 4096, 16

def setup_inputs(seed: int = 0) -> dict:
    key = jax.random.key(seed)
    k1, k2 = jax.random.split(key)
    predictions = jax.random.uniform(k1, (B, T, S), dtype=jnp.float32)
    targets = jax.random.randint(k2, (B, T, S), 0, 2).astype(jnp.float32)
    return {"predictions": predictions, "targets": targets}

def _sort_targets(targets):
    # targets: [B, T, S] binary activity matrix
    time = targets.shape[1]
    # onset = first time index where speaker is active (argmax over time of binary col)
    onsets = jnp.argmax(targets, axis=1)            # [B, S]
    activities = jnp.sum(targets, axis=1)           # [B, S]
    onsets = jnp.where(activities == 0, time + 999999, onsets)
    sort_idx = jnp.argsort(onsets, axis=1)          # [B, S]
    # permute speaker channels per batch element
    sorted_targets = jnp.take_along_axis(targets, sort_idx[:, None, :], axis=2)
    return sorted_targets

def _bce_none(pred, target):
    # matches torch.nn.BCELoss(reduction='none') incl. log clamp at -100
    log_p = jnp.clip(jnp.log(pred), -100.0, None)
    log_1p = jnp.clip(jnp.log(1.0 - pred), -100.0, None)
    return -(target * log_p + (1.0 - target) * log_1p)

def reference(predictions, targets):
    aligned_targets = _sort_targets(targets)
    min_ch = min(predictions.shape[2], aligned_targets.shape[2])
    predictions = predictions[:, :, :min_ch]
    aligned_targets = aligned_targets[:, :, :min_ch]
    loss = _bce_none(predictions, aligned_targets)
    return jnp.mean(loss)

if __name__ == "__main__":
    import jax
    _d = setup_inputs()
    print(jax.jit(kernel)(*tuple(_d.values())))

</pallas_src>

<mosaic_0001>
#map = affine_map<(d0, d1) -> (0, 0)>
#map1 = affine_map<(d0, d1) -> (0)>
module attributes {stable_mosaic.version = 14 : i64} {
  func.func @_sc_sort_select(%arg0: i32, %arg1: i32, %arg2: memref<1024x16xf32, #tpu.memory_space<hbm>>, %arg3: memref<64x16xf32, #tpu.memory_space<hbm>>, %arg4: memref<1x16xf32, #tpu.memory_space<hbm>>, %arg5: memref<16xf32, #tpu.memory_space<hbm>>, %arg6: memref<4x16xf32, #tpu.memory_space<vmem>>, %arg7: memref<64x16xf32, #tpu.memory_space<vmem>>, %arg8: memref<16xf32, #tpu.memory_space<vmem>>, %arg9: memref<16xf32, #tpu.memory_space<vmem>>, %arg10: memref<16xf32, #tpu.memory_space<vmem_shared>>) attributes {dimension_semantics = [#tpu.dimension_semantics<core_parallel>, #tpu.dimension_semantics<subcore_parallel>], iteration_bounds = array<i64: 2, 16>, scalar_prefetch = 0 : i64, scratch_operands = 5 : i64, tpu.core_type = #tpu.core_type<sc_vector_subcore>, window_params = [{transform_indices = #map}, {transform_indices = #map}, {transform_indices = #map}, {transform_indices = #map1}]} {
    %eq3A = arith.constant 0 : i32
    %eq3A_0 = arith.cmpi eq, %arg0, %eq3A : i32
    %convert_element_type3A = arith.extui %eq3A_0 : i1 to i32
    %cond3A = arith.constant 0 : i32
    %cond3A_1 = arith.cmpi ne, %convert_element_type3A, %cond3A : i32
    scf.if %cond3A_1 {
      %iota3A = tpu.iota {dimensions = array<i32: 0>} : vector<16xi32>
      %eq3A_2 = arith.constant 0 : i32
      %eq3A_3 = arith.cmpi eq, %arg1, %eq3A_2 : i32
      %convert_element_type3A_4 = arith.extui %eq3A_3 : i1 to i32
      %cond3A_5 = arith.constant 0 : i32
      %cond3A_6 = arith.cmpi ne, %convert_element_type3A_4, %cond3A_5 : i32
      scf.if %cond3A_6 {
        %broadcast_in_dim3A_67 = arith.constant 0.000000e+00 : f32
        %broadcast_in_dim3A_68 = vector.broadcast %broadcast_in_dim3A_67 : f32 to vector<16xf32>
        %swap3A_69 = arith.constant 0 : index
        %swap3A_70 = tpu.vector_load %arg8[%swap3A_69] {strides = array<i32>} : memref<16xf32, #tpu.memory_space<vmem>>, vector<16xf32>,
        tpu.vector_store %arg8[%swap3A_69], %broadcast_in_dim3A_68 {strides = array<i32>} : memref<16xf32, #tpu.memory_space<vmem>>, vector<16xf32>,
        "tpu.region"() ({
          %run_scoped3A = tpu.sem_alloc : memref<!tpu.dma_semaphore, #tpu.memory_space<semaphore_mem>>
          tpu.enqueue_dma source(%arg8 : memref<16xf32, #tpu.memory_space<vmem>>) target(%arg10 : memref<16xf32, #tpu.memory_space<vmem_shared>>) target_semaphore(%run_scoped3A : memref<!tpu.dma_semaphore, #tpu.memory_space<semaphore_mem>>)
          tpu.wait_dma2 semaphore(%run_scoped3A : memref<!tpu.dma_semaphore, #tpu.memory_space<semaphore_mem>>) src(%arg8 : memref<16xf32, #tpu.memory_space<vmem>>) dst(%arg10 : memref<16xf32, #tpu.memory_space<vmem_shared>>)
          tpu.yield
        }) : () -> ()
      } else {
      }
      %barrier3A = arith.constant 0 : index
      tpu.barrier barrier_id(%barrier3A)
      %mul3A = arith.constant 4 : i32
      %mul3A_7 = arith.muli %arg1, %mul3A : i32
      "tpu.region"() ({
        %run_scoped3A = tpu.sem_alloc : memref<!tpu.dma_semaphore, #tpu.memory_space<semaphore_mem>>
        %dma_start3A = arith.constant 0 : i32
        %dma_start3A_67 = tpu.memref_slice %arg3[%mul3A_7, %dma_start3A] : memref<64x16xf32, #tpu.memory_space<hbm>> -> memref<4x16xf32, #tpu.memory_space<hbm>>
        %dma_start3A_68 = arith.constant 0 : i32
        %dma_start3A_69 = tpu.memref_slice %arg3[%mul3A_7, %dma_start3A_68] : memref<64x16xf32, #tpu.memory_space<hbm>> -> memref<4x16xf32, #tpu.memory_space<hbm>>
        tpu.enqueue_dma source(%dma_start3A_69 : memref<4x16xf32, #tpu.memory_space<hbm>>) target(%arg6 : memref<4x16xf32, #tpu.memory_space<vmem>>) target_semaphore(%run_scoped3A : memref<!tpu.dma_semaphore, #tpu.memory_space<semaphore_mem>>)
        %dma_wait3A = arith.constant 0 : i32
        %dma_wait3A_70 = tpu.memref_slice %arg3[%mul3A_7, %dma_wait3A] : memref<64x16xf32, #tpu.memory_space<hbm>> -> memref<4x16xf32, #tpu.memory_space<hbm>>
        %dma_wait3A_71 = arith.constant 0 : i32
        %dma_wait3A_72 = tpu.memref_slice %arg3[%mul3A_7, %dma_wait3A_71] : memref<64x16xf32, #tpu.memory_space<hbm>> -> memref<4x16xf32, #tpu.memory_space<hbm>>
        tpu.wait_dma2 semaphore(%run_scoped3A : memref<!tpu.dma_semaphore, #tpu.memory_space<semaphore_mem>>) src(%dma_wait3A_72 : memref<4x16xf32, #tpu.memory_space<hbm>>) dst(%arg6 : memref<4x16xf32, #tpu.memory_space<vmem>>)
        tpu.yield
      }) : () -> ()
      %mul3A_8 = arith.constant 16 : i32
      %mul3A_9 = arith.muli %mul3A_7, %mul3A_8 : i32
      "tpu.region"() ({
        %run_scoped3A = tpu.sem_alloc : memref<!tpu.dma_semaphore, #tpu.memory_space<semaphore_mem>>
        %dma_start3A = arith.constant 0 : i32
        %dma_start3A_67 = tpu.memref_slice %arg2[%mul3A_9, %dma_start3A] : memref<1024x16xf32, #tpu.memory_space<hbm>> -> memref<64x16xf32, #tpu.memory_space<hbm>>
        %dma_start3A_68 = arith.constant 0 : i32
        %dma_start3A_69 = tpu.memref_slice %arg2[%mul3A_9, %dma_start3A_68] : memref<1024x16xf32, #tpu.memory_space<hbm>> -> memref<64x16xf32, #tpu.memory_space<hbm>>
        tpu.enqueue_dma source(%dma_start3A_69 : memref<64x16xf32, #tpu.memory_space<hbm>>) target(%arg7 : memref<64x16xf32, #tpu.memory_space<vmem>>) target_semaphore(%run_scoped3A : memref<!tpu.dma_semaphore, #tpu.memory_space<semaphore_mem>>)
        %dma_wait3A = arith.constant 0 : i32
        %dma_wait3A_70 = tpu.memref_slice %arg2[%mul3A_9, %dma_wait3A] : memref<1024x16xf32, #tpu.memory_space<hbm>> -> memref<64x16xf32, #tpu.memory_space<hbm>>
        %dma_wait3A_71 = arith.constant 0 : i32
        %dma_wait3A_72 = tpu.memref_slice %arg2[%mul3A_9, %dma_wait3A_71] : memref<1024x16xf32, #tpu.memory_space<hbm>> -> memref<64x16xf32, #tpu.memory_space<hbm>>
        tpu.wait_dma2 semaphore(%run_scoped3A : memref<!tpu.dma_semaphore, #tpu.memory_space<semaphore_mem>>) src(%dma_wait3A_72 : memref<64x16xf32, #tpu.memory_space<hbm>>) dst(%arg7 : memref<64x16xf32, #tpu.memory_space<vmem>>)
        tpu.yield
      }) : () -> ()
      %broadcast_in_dim3A = arith.constant 0.000000e+00 : f32
      %broadcast_in_dim3A_10 = vector.broadcast %broadcast_in_dim3A : f32 to vector<16xf32>
      %get3A = arith.constant 0 : i32
      %get3A_11 = arith.index_cast %get3A : i32 to index
      %get3A_12 = arith.constant 0 : index
      %get3A_13 = tpu.vector_load %arg6[%get3A_11, %get3A_12] {strides = array<i32>} : memref<4x16xf32, #tpu.memory_space<vmem>>, vector<16xf32>,
      %masked_sort3A = arith.constant dense<true> : vector<16xi1>
      %masked_sort3A_14, %masked_sort3A_15, %masked_sort3A_16 = tpu.sort %get3A_13, %iota3A masked %masked_sort3A : (vector<16xf32>, vector<16xi32>, vector<16xi1>) -> (vector<16xi1>, vector<16xf32>, vector<16xi32>)
      %add3A = arith.constant 0 : i32
      %add3A_17 = vector.broadcast %add3A : i32 to vector<16xi32>
      %add3A_18 = arith.addi %add3A_17, %masked_sort3A_16 : vector<16xi32>
      %gather3A = tpu.vector_load_idx %arg7[%add3A_18, %iota3A] : memref<64x16xf32, #tpu.memory_space<vmem>>[vector<16xi32>, vector<16xi32>], vector<16xf32>,
      %add3A_19 = arith.addf %broadcast_in_dim3A_10, %gather3A : vector<16xf32>
      %get3A_20 = arith.constant 1 : i32
      %get3A_21 = arith.index_cast %get3A_20 : i32 to index
      %get3A_22 = arith.constant 0 : index
      %get3A_23 = tpu.vector_load %arg6[%get3A_21, %get3A_22] {strides = array<i32>} : memref<4x16xf32, #tpu.memory_space<vmem>>, vector<16xf32>,
      %masked_sort3A_24 = arith.constant dense<true> : vector<16xi1>
      %masked_sort3A_25, %masked_sort3A_26, %masked_sort3A_27 = tpu.sort %get3A_23, %iota3A masked %masked_sort3A_24 : (vector<16xf32>, vector<16xi32>, vector<16xi1>) -> (vector<16xi1>, vector<16xf32>, vector<16xi32>)
      %add3A_28 = arith.constant 16 : i32
      %add3A_29 = vector.broadcast %add3A_28 : i32 to vector<16xi32>
      %add3A_30 = arith.addi %add3A_29, %masked_sort3A_27 : vector<16xi32>
      %gather3A_31 = tpu.vector_load_idx %arg7[%add3A_30, %iota3A] : memref<64x16xf32, #tpu.memory_space<vmem>>[vector<16xi32>, vector<16xi32>], vector<16xf32>,
      %add3A_32 = arith.addf %add3A_19, %gather3A_31 : vector<16xf32>
      %get3A_33 = arith.constant 2 : i32
      %get3A_34 = arith.index_cast %get3A_33 : i32 to index
      %get3A_35 = arith.constant 0 : index
      %get3A_36 = tpu.vector_load %arg6[%get3A_34, %get3A_35] {strides = array<i32>} : memref<4x16xf32, #tpu.memory_space<vmem>>, vector<16xf32>,
      %masked_sort3A_37 = arith.constant dense<true> : vector<16xi1>
      %masked_sort3A_38, %masked_sort3A_39, %masked_sort3A_40 = tpu.sort %get3A_36, %iota3A masked %masked_sort3A_37 : (vector<16xf32>, vector<16xi32>, vector<16xi1>) -> (vector<16xi1>, vector<16xf32>, vector<16xi32>)
      %add3A_41 = arith.constant 32 : i32
      %add3A_42 = vector.broadcast %add3A_41 : i32 to vector<16xi32>
      %add3A_43 = arith.addi %add3A_42, %masked_sort3A_40 : vector<16xi32>
      %gather3A_44 = tpu.vector_load_idx %arg7[%add3A_43, %iota3A] : memref<64x16xf32, #tpu.memory_space<vmem>>[vector<16xi32>, vector<16xi32>], vector<16xf32>,
      %add3A_45 = arith.addf %add3A_32, %gather3A_44 : vector<16xf32>
      %get3A_46 = arith.constant 3 : i32
      %get3A_47 = arith.index_cast %get3A_46 : i32 to index
      %get3A_48 = arith.constant 0 : index
      %get3A_49 = tpu.vector_load %arg6[%get3A_47, %get3A_48] {strides = array<i32>} : memref<4x16xf32, #tpu.memory_space<vmem>>, vector<16xf32>,
      %masked_sort3A_50 = arith.constant dense<true> : vector<16xi1>
      %masked_sort3A_51, %masked_sort3A_52, %masked_sort3A_53 = tpu.sort %get3A_49, %iota3A masked %masked_sort3A_50 : (vector<16xf32>, vector<16xi32>, vector<16xi1>) -> (vector<16xi1>, vector<16xf32>, vector<16xi32>)
      %add3A_54 = arith.constant 48 : i32
      %add3A_55 = vector.broadcast %add3A_54 : i32 to vector<16xi32>
      %add3A_56 = arith.addi %add3A_55, %masked_sort3A_53 : vector<16xi32>
      %gather3A_57 = tpu.vector_load_idx %arg7[%add3A_56, %iota3A] : memref<64x16xf32, #tpu.memory_space<vmem>>[vector<16xi32>, vector<16xi32>], vector<16xf32>,
      %add3A_58 = arith.addf %add3A_45, %gather3A_57 : vector<16xf32>
      %swap3A = arith.constant 0 : index
      %swap3A_59 = tpu.vector_load %arg8[%swap3A] {strides = array<i32>} : memref<16xf32, #tpu.memory_space<vmem>>, vector<16xf32>,
      tpu.vector_store %arg8[%swap3A], %add3A_58 {strides = array<i32>} : memref<16xf32, #tpu.memory_space<vmem>>, vector<16xf32>,
      %iota3A_60 = tpu.iota {dimensions = array<i32: 0>} : vector<16xi32>
      "tpu.region"() ({
        %run_scoped3A = tpu.sem_alloc : memref<!tpu.dma_semaphore, #tpu.memory_space<semaphore_mem>>
        %dma_start3A = arith.constant 0 : i32
        %dma_start3A_67 = tpu.memref_slice %arg10[%dma_start3A] : memref<16xf32, #tpu.memory_space<vmem_shared>> -> memref<16xf32, #tpu.memory_space<vmem_shared>>
        tpu.enqueue_indirect_dma source(%arg8 : memref<16xf32, #tpu.memory_space<vmem>>) target(%dma_start3A_67 : memref<16xf32, #tpu.memory_space<vmem_shared>>) offsets(%iota3A_60 : vector<16xi32>) semaphore(%run_scoped3A : memref<!tpu.dma_semaphore, #tpu.memory_space<semaphore_mem>>) {add = true}
        %dma_wait3A = arith.constant 0 : i32
        %dma_wait3A_68 = tpu.memref_slice %arg10[%dma_wait3A] : memref<16xf32, #tpu.memory_space<vmem_shared>> -> memref<16xf32, #tpu.memory_space<vmem_shared>>
        tpu.wait_indirect_dma semaphore(%run_scoped3A : memref<!tpu.dma_semaphore, #tpu.memory_space<semaphore_mem>>) src(%arg8 : memref<16xf32, #tpu.memory_space<vmem>>) dst(%dma_wait3A_68 : memref<16xf32, #tpu.memory_space<vmem_shared>>)
        tpu.yield
      }) : () -> ()
      %barrier3A_61 = arith.constant 0 : index
      tpu.barrier barrier_id(%barrier3A_61)
      %eq3A_62 = arith.constant 0 : i32
      %eq3A_63 = arith.cmpi eq, %arg1, %eq3A_62 : i32
      %convert_element_type3A_64 = arith.extui %eq3A_63 : i1 to i32
      %cond3A_65 = arith.constant 0 : i32
      %cond3A_66 = arith.cmpi ne, %convert_element_type3A_64, %cond3A_65 : i32
      scf.if %cond3A_66 {
        "tpu.region"() ({
          %run_scoped3A_85 = tpu.sem_alloc : memref<!tpu.dma_semaphore, #tpu.memory_space<semaphore_mem>>
          tpu.enqueue_dma source(%arg10 : memref<16xf32, #tpu.memory_space<vmem_shared>>) target(%arg8 : memref<16xf32, #tpu.memory_space<vmem>>) target_semaphore(%run_scoped3A_85 : memref<!tpu.dma_semaphore, #tpu.memory_space<semaphore_mem>>)
          tpu.wait_dma2 semaphore(%run_scoped3A_85 : memref<!tpu.dma_semaphore, #tpu.memory_space<semaphore_mem>>) src(%arg10 : memref<16xf32, #tpu.memory_space<vmem_shared>>) dst(%arg8 : memref<16xf32, #tpu.memory_space<vmem>>)
          tpu.yield
        }) : () -> ()
        %run_scoped3A = arith.constant 0 : i32
        "tpu.region"() ({
          %run_scoped3A_85 = tpu.sem_alloc : memref<!tpu.dma_semaphore, #tpu.memory_space<semaphore_mem>>
          %dma_start3A = arith.constant 0 : i32
          %dma_start3A_86 = tpu.memref_slice %arg4[%run_scoped3A, %dma_start3A] : memref<1x16xf32, #tpu.memory_space<hbm>> -> memref<1x16xf32, #tpu.memory_space<hbm>>
          %dma_start3A_87 = tpu.memref_squeeze %dma_start3A_86 : memref<1x16xf32, #tpu.memory_space<hbm>> -> memref<16xf32, #tpu.memory_space<hbm>>
          %dma_start3A_88 = arith.constant 0 : i32
          %dma_start3A_89 = tpu.memref_slice %arg4[%run_scoped3A, %dma_start3A_88] : memref<1x16xf32, #tpu.memory_space<hbm>> -> memref<1x16xf32, #tpu.memory_space<hbm>>
          %dma_start3A_90 = tpu.memref_squeeze %dma_start3A_89 : memref<1x16xf32, #tpu.memory_space<hbm>> -> memref<16xf32, #tpu.memory_space<hbm>>
          tpu.enqueue_dma source(%dma_start3A_90 : memref<16xf32, #tpu.memory_space<hbm>>) target(%arg9 : memref<16xf32, #tpu.memory_space<vmem>>) target_semaphore(%run_scoped3A_85 : memref<!tpu.dma_semaphore, #tpu.memory_space<semaphore_mem>>)
          %dma_wait3A = arith.constant 0 : i32
          %dma_wait3A_91 = tpu.memref_slice %arg4[%run_scoped3A, %dma_wait3A] : memref<1x16xf32, #tpu.memory_space<hbm>> -> memref<1x16xf32, #tpu.memory_space<hbm>>
          %dma_wait3A_92 = tpu.memref_squeeze %dma_wait3A_91 : memref<1x16xf32, #tpu.memory_space<hbm>> -> memref<16xf32, #tpu.memory_space<hbm>>
          %dma_wait3A_93 = arith.constant 0 : i32
          %dma_wait3A_94 = tpu.memref_slice %arg4[%run_scoped3A, %dma_wait3A_93] : memref<1x16xf32, #tpu.memory_space<hbm>> -> memref<1x16xf32, #tpu.memory_space<hbm>>
          %dma_wait3A_95 = tpu.memref_squeeze %dma_wait3A_94 : memref<1x16xf32, #tpu.memory_space<hbm>> -> memref<16xf32, #tpu.memory_space<hbm>>
          tpu.wait_dma2 semaphore(%run_scoped3A_85 : memref<!tpu.dma_semaphore, #tpu.memory_space<semaphore_mem>>) src(%dma_wait3A_95 : memref<16xf32, #tpu.memory_space<hbm>>) dst(%arg9 : memref<16xf32, #tpu.memory_space<vmem>>)
          tpu.yield
        }) : () -> ()
        %get3A_67 = arith.constant 0 : index
        %get3A_68 = tpu.vector_load %arg8[%get3A_67] {strides = array<i32>} : memref<16xf32, #tpu.memory_space<vmem>>, vector<16xf32>,
        %reduce_sum3A = arith.constant true
        %reduce_sum3A_69 = vector.broadcast %reduce_sum3A : i1 to vector<16xi1>
        %reduce_sum3A_70 = tpu.scan <sum>, %get3A_68 masked %reduce_sum3A_69 : vector<16xf32>, vector<16xi1> -> vector<16xf32>
        %reduce_sum3A_71 = vector.extract %reduce_sum3A_70[15] : f32 from vector<16xf32>
        %get3A_72 = arith.constant 0 : index
        %get3A_73 = tpu.vector_load %arg9[%get3A_72] {strides = array<i32>} : memref<16xf32, #tpu.memory_space<vmem>>, vector<16xf32>,
        %reduce_sum3A_74 = arith.constant true
        %reduce_sum3A_75 = vector.broadcast %reduce_sum3A_74 : i1 to vector<16xi1>
        %reduce_sum3A_76 = tpu.scan <sum>, %get3A_73 masked %reduce_sum3A_75 : vector<16xf32>, vector<16xi1> -> vector<16xf32>
        %reduce_sum3A_77 = vector.extract %reduce_sum3A_76[15] : f32 from vector<16xf32>
        %mul3A_78 = arith.constant 6.250000e-02 : f32
        %mul3A_79 = arith.mulf %reduce_sum3A_77, %mul3A_78 : f32
        %sub3A = arith.subf %mul3A_79, %reduce_sum3A_71 : f32
        %mul3A_80 = arith.constant 2.38418579E-7 : f32
        %mul3A_81 = arith.mulf %sub3A, %mul3A_80 : f32
        %broadcast_in_dim3A_82 = vector.broadcast %mul3A_81 : f32 to vector<16xf32>
        %swap3A_83 = arith.constant 0 : index
        %swap3A_84 = tpu.vector_load %arg8[%swap3A_83] {strides = array<i32>} : memref<16xf32, #tpu.memory_space<vmem>>, vector<16xf32>,
        tpu.vector_store %arg8[%swap3A_83], %broadcast_in_dim3A_82 {strides = array<i32>} : memref<16xf32, #tpu.memory_space<vmem>>, vector<16xf32>,
        "tpu.region"() ({
          %run_scoped3A_85 = tpu.sem_alloc : memref<!tpu.dma_semaphore, #tpu.memory_space<semaphore_mem>>
          tpu.enqueue_dma source(%arg8 : memref<16xf32, #tpu.memory_space<vmem>>) target(%arg5 : memref<16xf32, #tpu.memory_space<hbm>>) target_semaphore(%run_scoped3A_85 : memref<!tpu.dma_semaphore, #tpu.memory_space<semaphore_mem>>)
          tpu.wait_dma2 semaphore(%run_scoped3A_85 : memref<!tpu.dma_semaphore, #tpu.memory_space<semaphore_mem>>) src(%arg8 : memref<16xf32, #tpu.memory_space<vmem>>) dst(%arg5 : memref<16xf32, #tpu.memory_space<hbm>>)
          tpu.yield
        }) : () -> ()
      } else {
      }
    } else {
    }
    return
  }
}

module attributes {stable_mosaic.version = 14 : i64} {
  func.func @_bce_main(%arg0: i32, %arg1: memref<16x16x4096xf32, #tpu.memory_space<vmem>>, %arg2: memref<16x16x4096xf32, #tpu.memory_space<vmem>>, %arg3: memref<256x16xf32, #tpu.memory_space<vmem>>, %arg4: memref<16x16xf32, #tpu.memory_space<vmem>>, %arg5: memref<1x16xf32, #tpu.memory_space<vmem>>, %arg6: memref<1x1xf32, #tpu.memory_space<smem>>) attributes {dimension_semantics = [#tpu.dimension_semantics<arbitrary>], iteration_bounds = array<i64: 4>, scalar_prefetch = 0 : i64, scratch_operands = 1 : i64, tpu.core_type = #tpu.core_type<tc>, window_params = [{transform_indices = @transform_0, window_bounds = array<i64: 16, 16, 4096>}, {transform_indices = @transform_1, window_bounds = array<i64: 16, 16, 4096>}, {transform_indices = @transform_2, window_bounds = array<i64: 256, 16>}, {transform_indices = @transform_3, window_bounds = array<i64: 16, 16>}, {pipeline_mode = #tpu.pipeline_mode<synchronous>, transform_indices = @transform_4, window_bounds = array<i64: 1, 16>}]} {
    %eq3A = arith.constant 0 : i32
    %eq3A_0 = arith.cmpi eq, %arg0, %eq3A : i32
    %convert_element_type3A = arith.extui %eq3A_0 : i1 to i32
    %cond3A = arith.constant 0 : i32
    %cond3A_1 = arith.cmpi ne, %convert_element_type3A, %cond3A : i32
    scf.if %cond3A_1 {
      %swap3A_872 = arith.constant 0.000000e+00 : f32
      %swap3A_873 = arith.constant 0 : index
      %swap3A_874 = arith.constant 0 : index
      %swap3A_875 = memref.load %arg6[%swap3A_873, %swap3A_874] : memref<1x1xf32, #tpu.memory_space<smem>>
      memref.store %swap3A_872, %arg6[%swap3A_873, %swap3A_874] : memref<1x1xf32, #tpu.memory_space<smem>>
    } else {
    }
    %iota3A = tpu.iota {dimensions = array<i32: 1>} : vector<16x4096xi32>
    %convert_element_type3A_2 = arith.sitofp %iota3A : vector<16x4096xi32> to vector<16x4096xf32>
    %iota3A_3 = tpu.iota {dimensions = array<i32: 0>} : vector<16x1xi32>
    %convert_element_type3A_4 = arith.sitofp %iota3A_3 : vector<16x1xi32> to vector<16x1xf32>
    %iota3A_5 = tpu.iota {dimensions = array<i32: 0>} : vector<16x16xi32>
    %iota3A_6 = tpu.iota {dimensions = array<i32: 1>} : vector<16x16xi32>
    %eq3A_7 = arith.cmpi eq, %iota3A_5, %iota3A_6 : vector<16x16xi32>
    %convert_element_type3A_8 = arith.extui %eq3A_7 : vector<16x16xi1> to vector<16x16xi32>
    %convert_element_type3A_9 = arith.sitofp %convert_element_type3A_8 : vector<16x16xi32> to vector<16x16xf32>
    %get3A = arith.constant 0 : index
    %get3A_10 = arith.constant 0 : index
    %get3A_11 = arith.constant 0 : index
    %get3A_12 = vector.load %arg1[%get3A, %get3A_10, %get3A_11] : memref<16x16x4096xf32, #tpu.memory_space<vmem>>, vector<1x16x4096xf32>
    %get3A_13 = vector.shape_cast %get3A_12 : vector<1x16x4096xf32> to vector<16x4096xf32>
    %get3A_14 = arith.constant 0 : index
    %get3A_15 = arith.constant 0 : index
    %get3A_16 = arith.constant 0 : index
    %get3A_17 = vector.load %arg2[%get3A_14, %get3A_15, %get3A_16] : memref<16x16x4096xf32, #tpu.memory_space<vmem>>, vector<1x16x4096xf32>
    %get3A_18 = vector.shape_cast %get3A_17 : vector<1x16x4096xf32> to vector<16x4096xf32>
    %log3A = math.log %get3A_13 : vector<16x4096xf32>
    %max3A = arith.constant -1.000000e+02 : f32
    %max3A_19 = vector.broadcast %max3A : f32 to vector<16x4096xf32>
    %max3A_20 = arith.maximumf %log3A, %max3A_19 : vector<16x4096xf32>
    %sub3A = arith.constant 1.000000e+00 : f32
    %sub3A_21 = vector.broadcast %sub3A : f32 to vector<16x4096xf32>
    %sub3A_22 = arith.subf %sub3A_21, %get3A_13 : vector<16x4096xf32>
    %log3A_23 = math.log %sub3A_22 : vector<16x4096xf32>
    %max3A_24 = arith.constant -1.000000e+02 : f32
    %max3A_25 = vector.broadcast %max3A_24 : f32 to vector<16x4096xf32>
    %max3A_26 = arith.maximumf %log3A_23, %max3A_25 : vector<16x4096xf32>
    %sub3A_27 = arith.subf %max3A_20, %max3A_26 : vector<16x4096xf32>
    %dot_general3A = arith.constant dense<0.000000e+00> : vector<16x16xf32>
    %dot_general3A_28 = tpu.matmul %get3A_18, %sub3A_27, %dot_general3A {dimension_numbers = #tpu.dot_dimension_numbers<[1], [1], [0], [0], [0, 0, 1, 0], [], []>, transpose_lhs_hint = false} : vector<16x4096xf32>, vector<16x4096xf32>, vector<16x16xf32> -> vector<16x16xf32>
    %swap3A = arith.constant 0 : index
    %swap3A_29 = arith.constant 0 : index
    %swap3A_30 = vector.load %arg3[%swap3A, %swap3A_29] : memref<256x16xf32, #tpu.memory_space<vmem>>, vector<16x16xf32>
    tpu.vector_store %arg3[%swap3A, %swap3A_29], %dot_general3A_28 {strides = array<i32>} : memref<256x16xf32, #tpu.memory_space<vmem>>, vector<16x16xf32>,
    %gt3A = arith.constant 0.000000e+00 : f32
    %gt3A_31 = vector.broadcast %gt3A : f32 to vector<16x4096xf32>
    %gt3A_32 = arith.cmpf ogt, %get3A_18, %gt3A_31 : vector<16x4096xf32>
    %jit3A = arith.constant 6.553600e+04 : f32
    %broadcast_in_dim3A = vector.broadcast %jit3A : f32 to vector<16x4096xf32>
    %select_n3A = arith.select %gt3A_32, %convert_element_type3A_2, %broadcast_in_dim3A : vector<16x4096xi1>, vector<16x4096xf32>
    %reduce_min3A = arith.constant dense<0x7F800000> : vector<16xf32>
    %reduce_min3A_33 = vector.multi_reduction <minimumf>, %select_n3A, %reduce_min3A [1] : vector<16x4096xf32> to vector<16xf32>
    %broadcast_in_dim3A_34 = vector.shape_cast %reduce_min3A_33 : vector<16xf32> to vector<16x1xf32>
    %mul3A = arith.constant 1.600000e+01 : f32
    %mul3A_35 = vector.broadcast %mul3A : f32 to vector<16x1xf32>
    %mul3A_36 = arith.mulf %broadcast_in_dim3A_34, %mul3A_35 : vector<16x1xf32>
    %add3A = arith.addf %mul3A_36, %convert_element_type3A_4 : vector<16x1xf32>
    %broadcast_in_dim3A_37 = vector.shape_cast %add3A : vector<16x1xf32> to vector<16x1xf32>
    %broadcast_in_dim3A_38 = vector.broadcast %broadcast_in_dim3A_37 : vector<16x1xf32> to vector<16x16xf32>
    %dot_general3A_39 = arith.constant dense<0.000000e+00> : vector<16x16xf32>
    %dot_general3A_40 = tpu.matmul %broadcast_in_dim3A_38, %convert_element_type3A_9, %dot_general3A_39 {dimension_numbers = #tpu.dot_dimension_numbers<[0], [0], [1], [1], [0, 1, 1, 1], [], []>, transpose_lhs_hint = false} : vector<16x16xf32>, vector<16x16xf32>, vector<16x16xf32> -> vector<16x16xf32>
    %slice3A = vector.extract_strided_slice %dot_general3A_40 {offsets = [0, 0], sizes = [1, 16], strides = [1, 1]} : vector<16x16xf32> to vector<1x16xf32>
    %swap3A_41 = arith.constant 0 : index
    %swap3A_42 = arith.constant 0 : index
    %swap3A_43 = vector.load %arg4[%swap3A_41, %swap3A_42] : memref<16x16xf32, #tpu.memory_space<vmem>>, vector<1x16xf32>
    tpu.vector_store %arg4[%swap3A_41, %swap3A_42], %slice3A {strides = array<i32>} : memref<16x16xf32, #tpu.memory_space<vmem>>, vector<1x16xf32>,
    %reduce_sum3A = vector.shape_cast %max3A_26 : vector<16x4096xf32> to vector<1x16x4096xf32>
    %reduce_sum3A_44 = arith.constant dense<0.000000e+00> : vector<1xf32>
    %reduce_sum3A_45 = vector.multi_reduction <add>, %reduce_sum3A, %reduce_sum3A_44 [1, 2] : vector<1x16x4096xf32> to vector<1xf32>
    %reduce_sum3A_46 = vector.shape_cast %reduce_sum3A_45 : vector<1xf32> to vector<1x1x1xf32>
    %reduce_sum3A_47 = vector.extract %reduce_sum3A_46[0, 0, 0] : f32 from vector<1x1x1xf32>
    %sub3A_48 = arith.constant 0.000000e+00 : f32
    %sub3A_49 = arith.subf %sub3A_48, %reduce_sum3A_47 : f32
    %get3A_50 = arith.constant 1 : index
    %get3A_51 = arith.constant 0 : index
    %get3A_52 = arith.constant 0 : index
    %get3A_53 = vector.load %arg1[%get3A_50, %get3A_51, %get3A_52] : memref<16x16x4096xf32, #tpu.memory_space<vmem>>, vector<1x16x4096xf32>
    %get3A_54 = vector.shape_cast %get3A_53 : vector<1x16x4096xf32> to vector<16x4096xf32>
    %get3A_55 = arith.constant 1 : index
    %get3A_56 = arith.constant 0 : index
    %get3A_57 = arith.constant 0 : index
    %get3A_58 = vector.load %arg2[%get3A_55, %get3A_56, %get3A_57] : memref<16x16x4096xf32, #tpu.memory_space<vmem>>, vector<1x16x4096xf32>
    %get3A_59 = vector.shape_cast %get3A_58 : vector<1x16x4096xf32> to vector<16x4096xf32>
    %log3A_60 = math.log %get3A_54 : vector<16x4096xf32>
    %max3A_61 = arith.constant -1.000000e+02 : f32
    %max3A_62 = vector.broadcast %max3A_61 : f32 to vector<16x4096xf32>
    %max3A_63 = arith.maximumf %log3A_60, %max3A_62 : vector<16x4096xf32>
    %sub3A_64 = arith.constant 1.000000e+00 : f32
    %sub3A_65 = vector.broadcast %sub3A_64 : f32 to vector<16x4096xf32>
    %sub3A_66 = arith.subf %sub3A_65, %get3A_54 : vector<16x4096xf32>
    %log3A_67 = math.log %sub3A_66 : vector<16x4096xf32>
    %max3A_68 = arith.constant -1.000000e+02 : f32
    %max3A_69 = vector.broadcast %max3A_68 : f32 to vector<16x4096xf32>
    %max3A_70 = arith.maximumf %log3A_67, %max3A_69 : vector<16x4096xf32>
    %sub3A_71 = arith.subf %max3A_63, %max3A_70 : vector<16x4096xf32>
    %dot_general3A_72 = arith.constant dense<0.000000e+00> : vector<16x16xf32>
    %dot_general3A_73 = tpu.matmul %get3A_59, %sub3A_71, %dot_general3A_72 {dimension_numbers = #tpu.dot_dimension_numbers<[1], [1], [0], [0], [0, 0, 1, 0], [], []>, transpose_lhs_hint = false} : vector<16x4096xf32>, vector<16x4096xf32>, vector<16x16xf32> -> vector<16x16xf32>
    %swap3A_74 = arith.constant 16 : index
    %swap3A_75 = arith.constant 0 : index
    %swap3A_76 = vector.load %arg3[%swap3A_74, %swap3A_75] : memref<256x16xf32, #tpu.memory_space<vmem>>, vector<16x16xf32>
    tpu.vector_store %arg3[%swap3A_74, %swap3A_75], %dot_general3A_73 {strides = array<i32>} : memref<256x16xf32, #tpu.memory_space<vmem>>, vector<16x16xf32>,
    %gt3A_77 = arith.constant 0.000000e+00 : f32
    %gt3A_78 = vector.broadcast %gt3A_77 : f32 to vector<16x4096xf32>
    %gt3A_79 = arith.cmpf ogt, %get3A_59, %gt3A_78 : vector<16x4096xf32>
    %jit3A_80 = arith.constant 6.553600e+04 : f32
    %broadcast_in_dim3A_81 = vector.broadcast %jit3A_80 : f32 to vector<16x4096xf32>
    %select_n3A_82 = arith.select %gt3A_79, %convert_element_type3A_2, %broadcast_in_dim3A_81 : vector<16x4096xi1>, vector<16x4096xf32>
    %reduce_min3A_83 = arith.constant dense<0x7F800000> : vector<16xf32>
    %reduce_min3A_84 = vector.multi_reduction <minimumf>, %select_n3A_82, %reduce_min3A_83 [1] : vector<16x4096xf32> to vector<16xf32>
    %broadcast_in_dim3A_85 = vector.shape_cast %reduce_min3A_84 : vector<16xf32> to vector<16x1xf32>
    %mul3A_86 = arith.constant 1.600000e+01 : f32
    %mul3A_87 = vector.broadcast %mul3A_86 : f32 to vector<16x1xf32>
    %mul3A_88 = arith.mulf %broadcast_in_dim3A_85, %mul3A_87 : vector<16x1xf32>
    %add3A_89 = arith.addf %mul3A_88, %convert_element_type3A_4 : vector<16x1xf32>
    %broadcast_in_dim3A_90 = vector.shape_cast %add3A_89 : vector<16x1xf32> to vector<16x1xf32>
    %broadcast_in_dim3A_91 = vector.broadcast %broadcast_in_dim3A_90 : vector<16x1xf32> to vector<16x16xf32>
    %dot_general3A_92 = arith.constant dense<0.000000e+00> : vector<16x16xf32>
    %dot_general3A_93 = tpu.matmul %broadcast_in_dim3A_91, %convert_element_type3A_9, %dot_general3A_92 {dimension_numbers = #tpu.dot_dimension_numbers<[0], [0], [1], [1], [0, 1, 1, 1], [], []>, transpose_lhs_hint = false} : vector<16x16xf32>, vector<16x16xf32>, vector<16x16xf32> -> vector<16x16xf32>
    %slice3A_94 = vector.extract_strided_slice %dot_general3A_93 {offsets = [0, 0], sizes = [1, 16], strides = [1, 1]} : vector<16x16xf32> to vector<1x16xf32>
    %swap3A_95 = arith.constant 1 : index
    %swap3A_96 = arith.constant 0 : index
    %swap3A_97 = vector.load %arg4[%swap3A_95, %swap3A_96] : memref<16x16xf32, #tpu.memory_space<vmem>>, vector<1x16xf32>
    tpu.vector_store %arg4[%swap3A_95, %swap3A_96], %slice3A_94 {strides = array<i32>} : memref<16x16xf32, #tpu.memory_space<vmem>>, vector<1x16xf32>,
    %reduce_sum3A_98 = vector.shape_cast %max3A_70 : vector<16x4096xf32> to vector<1x16x4096xf32>
    %reduce_sum3A_99 = arith.constant dense<0.000000e+00> : vector<1xf32>
    %reduce_sum3A_100 = vector.multi_reduction <add>, %reduce_sum3A_98, %reduce_sum3A_99 [1, 2] : vector<1x16x4096xf32> to vector<1xf32>
    %reduce_sum3A_101 = vector.shape_cast %reduce_sum3A_100 : vector<1xf32> to vector<1x1x1xf32>
    %reduce_sum3A_102 = vector.extract %reduce_sum3A_101[0, 0, 0] : f32 from vector<1x1x1xf32>
    %sub3A_103 = arith.subf %sub3A_49, %reduce_sum3A_102 : f32
    %get3A_104 = arith.constant 2 : index
    %get3A_105 = arith.constant 0 : index
    %get3A_106 = arith.constant 0 : index
    %get3A_107 = vector.load %arg1[%get3A_104, %get3A_105, %get3A_106] : memref<16x16x4096xf32, #tpu.memory_space<vmem>>, vector<1x16x4096xf32>
    %get3A_108 = vector.shape_cast %get3A_107 : vector<1x16x4096xf32> to vector<16x4096xf32>
    %get3A_109 = arith.constant 2 : index
    %get3A_110 = arith.constant 0 : index
    %get3A_111 = arith.constant 0 : index
    %get3A_112 = vector.load %arg2[%get3A_109, %get3A_110, %get3A_111] : memref<16x16x4096xf32, #tpu.memory_space<vmem>>, vector<1x16x4096xf32>
    %get3A_113 = vector.shape_cast %get3A_112 : vector<1x16x4096xf32> to vector<16x4096xf32>
    %log3A_114 = math.log %get3A_108 : vector<16x4096xf32>
    %max3A_115 = arith.constant -1.000000e+02 : f32
    %max3A_116 = vector.broadcast %max3A_115 : f32 to vector<16x4096xf32>
    %max3A_117 = arith.maximumf %log3A_114, %max3A_116 : vector<16x4096xf32>
    %sub3A_118 = arith.constant 1.000000e+00 : f32
    %sub3A_119 = vector.broadcast %sub3A_118 : f32 to vector<16x4096xf32>
    %sub3A_120 = arith.subf %sub3A_119, %get3A_108 : vector<16x4096xf32>
    %log3A_121 = math.log %sub3A_120 : vector<16x4096xf32>
    %max3A_122 = arith.constant -1.000000e+02 : f32
    %max3A_123 = vector.broadcast %max3A_122 : f32 to vector<16x4096xf32>
    %max3A_124 = arith.maximumf %log3A_121, %max3A_123 : vector<16x4096xf32>
    %sub3A_125 = arith.subf %max3A_117, %max3A_124 : vector<16x4096xf32>
    %dot_general3A_126 = arith.constant dense<0.000000e+00> : vector<16x16xf32>
    %dot_general3A_127 = tpu.matmul %get3A_113, %sub3A_125, %dot_general3A_126 {dimension_numbers = #tpu.dot_dimension_numbers<[1], [1], [0], [0], [0, 0, 1, 0], [], []>, transpose_lhs_hint = false} : vector<16x4096xf32>, vector<16x4096xf32>, vector<16x16xf32> -> vector<16x16xf32>
    %swap3A_128 = arith.constant 32 : index
    %swap3A_129 = arith.constant 0 : index
    %swap3A_130 = vector.load %arg3[%swap3A_128, %swap3A_129] : memref<256x16xf32, #tpu.memory_space<vmem>>, vector<16x16xf32>
    tpu.vector_store %arg3[%swap3A_128, %swap3A_129], %dot_general3A_127 {strides = array<i32>} : memref<256x16xf32, #tpu.memory_space<vmem>>, vector<16x16xf32>,
    %gt3A_131 = arith.constant 0.000000e+00 : f32
    %gt3A_132 = vector.broadcast %gt3A_131 : f32 to vector<16x4096xf32>
    %gt3A_133 = arith.cmpf ogt, %get3A_113, %gt3A_132 : vector<16x4096xf32>
    %jit3A_134 = arith.constant 6.553600e+04 : f32
    %broadcast_in_dim3A_135 = vector.broadcast %jit3A_134 : f32 to vector<16x4096xf32>
    %select_n3A_136 = arith.select %gt3A_133, %convert_element_type3A_2, %broadcast_in_dim3A_135 : vector<16x4096xi1>, vector<16x4096xf32>
    %reduce_min3A_137 = arith.constant dense<0x7F800000> : vector<16xf32>
    %reduce_min3A_138 = vector.multi_reduction <minimumf>, %select_n3A_136, %reduce_min3A_137 [1] : vector<16x4096xf32> to vector<16xf32>
    %broadcast_in_dim3A_139 = vector.shape_cast %reduce_min3A_138 : vector<16xf32> to vector<16x1xf32>
    %mul3A_140 = arith.constant 1.600000e+01 : f32
    %mul3A_141 = vector.broadcast %mul3A_140 : f32 to vector<16x1xf32>
    %mul3A_142 = arith.mulf %broadcast_in_dim3A_139, %mul3A_141 : vector<16x1xf32>
    %add3A_143 = arith.addf %mul3A_142, %convert_element_type3A_4 : vector<16x1xf32>
    %broadcast_in_dim3A_144 = vector.shape_cast %add3A_143 : vector<16x1xf32> to vector<16x1xf32>
    %broadcast_in_dim3A_145 = vector.broadcast %broadcast_in_dim3A_144 : vector<16x1xf32> to vector<16x16xf32>
    %dot_general3A_146 = arith.constant dense<0.000000e+00> : vector<16x16xf32>
    %dot_general3A_147 = tpu.matmul %broadcast_in_dim3A_145, %convert_element_type3A_9, %dot_general3A_146 {dimension_numbers = #tpu.dot_dimension_numbers<[0], [0], [1], [1], [0, 1, 1, 1], [], []>, transpose_lhs_hint = false} : vector<16x16xf32>, vector<16x16xf32>, vector<16x16xf32> -> vector<16x16xf32>
    %slice3A_148 = vector.extract_strided_slice %dot_general3A_147 {offsets = [0, 0], sizes = [1, 16], strides = [1, 1]} : vector<16x16xf32> to vector<1x16xf32>
    %swap3A_149 = arith.constant 2 : index
    %swap3A_150 = arith.constant 0 : index
    %swap3A_151 = vector.load %arg4[%swap3A_149, %swap3A_150] : memref<16x16xf32, #tpu.memory_space<vmem>>, vector<1x16xf32>
    tpu.vector_store %arg4[%swap3A_149, %swap3A_150], %slice3A_148 {strides = array<i32>} : memref<16x16xf32, #tpu.memory_space<vmem>>, vector<1x16xf32>,
    %reduce_sum3A_152 = vector.shape_cast %max3A_124 : vector<16x4096xf32> to vector<1x16x4096xf32>
    %reduce_sum3A_153 = arith.constant dense<0.000000e+00> : vector<1xf32>
    %reduce_sum3A_154 = vector.multi_reduction <add>, %reduce_sum3A_152, %reduce_sum3A_153 [1, 2] : vector<1x16x4096xf32> to vector<1xf32>
    %reduce_sum3A_155 = vector.shape_cast %reduce_sum3A_154 : vector<1xf32> to vector<1x1x1xf32>
    %reduce_sum3A_156 = vector.extract %reduce_sum3A_155[0, 0, 0] : f32 from vector<1x1x1xf32>
    %sub3A_157 = arith.subf %sub3A_103, %reduce_sum3A_156 : f32
    %get3A_158 = arith.constant 3 : index
    %get3A_159 = arith.constant 0 : index
    %get3A_160 = arith.constant 0 : index
    %get3A_161 = vector.load %arg1[%get3A_158, %get3A_159, %get3A_160] : memref<16x16x4096xf32, #tpu.memory_space<vmem>>, vector<1x16x4096xf32>
    %get3A_162 = vector.shape_cast %get3A_161 : vector<1x16x4096xf32> to vector<16x4096xf32>
    %get3A_163 = arith.constant 3 : index
    %get3A_164 = arith.constant 0 : index
    %get3A_165 = arith.constant 0 : index
    %get3A_166 = vector.load %arg2[%get3A_163, %get3A_164, %get3A_165] : memref<16x16x4096xf32, #tpu.memory_space<vmem>>, vector<1x16x4096xf32>
    %get3A_167 = vector.shape_cast %get3A_166 : vector<1x16x4096xf32> to vector<16x4096xf32>
    %log3A_168 = math.log %get3A_162 : vector<16x4096xf32>
    %max3A_169 = arith.constant -1.000000e+02 : f32
    %max3A_170 = vector.broadcast %max3A_169 : f32 to vector<16x4096xf32>
    %max3A_171 = arith.maximumf %log3A_168, %max3A_170 : vector<16x4096xf32>
    %sub3A_172 = arith.constant 1.000000e+00 : f32
    %sub3A_173 = vector.broadcast %sub3A_172 : f32 to vector<16x4096xf32>
    %sub3A_174 = arith.subf %sub3A_173, %get3A_162 : vector<16x4096xf32>
    %log3A_175 = math.log %sub3A_174 : vector<16x4096xf32>
    %max3A_176 = arith.constant -1.000000e+02 : f32
    %max3A_177 = vector.broadcast %max3A_176 : f32 to vector<16x4096xf32>
    %max3A_178 = arith.maximumf %log3A_175, %max3A_177 : vector<16x4096xf32>
    %sub3A_179 = arith.subf %max3A_171, %max3A_178 : vector<16x4096xf32>
    %dot_general3A_180 = arith.constant dense<0.000000e+00> : vector<16x16xf32>
    %dot_general3A_181 = tpu.matmul %get3A_167, %sub3A_179, %dot_general3A_180 {dimension_numbers = #tpu.dot_dimension_numbers<[1], [1], [0], [0], [0, 0, 1, 0], [], []>, transpose_lhs_hint = false} : vector<16x4096xf32>, vector<16x4096xf32>, vector<16x16xf32> -> vector<16x16xf32>
    %swap3A_182 = arith.constant 48 : index
    %swap3A_183 = arith.constant 0 : index
    %swap3A_184 = vector.load %arg3[%swap3A_182, %swap3A_183] : memref<256x16xf32, #tpu.memory_space<vmem>>, vector<16x16xf32>
    tpu.vector_store %arg3[%swap3A_182, %swap3A_183], %dot_general3A_181 {strides = array<i32>} : memref<256x16xf32, #tpu.memory_space<vmem>>, vector<16x16xf32>,
    %gt3A_185 = arith.constant 0.000000e+00 : f32
    %gt3A_186 = vector.broadcast %gt3A_185 : f32 to vector<16x4096xf32>
    %gt3A_187 = arith.cmpf ogt, %get3A_167, %gt3A_186 : vector<16x4096xf32>
    %jit3A_188 = arith.constant 6.553600e+04 : f32
    %broadcast_in_dim3A_189 = vector.broadcast %jit3A_188 : f32 to vector<16x4096xf32>
    %select_n3A_190 = arith.select %gt3A_187, %convert_element_type3A_2, %broadcast_in_dim3A_189 : vector<16x4096xi1>, vector<16x4096xf32>
    %reduce_min3A_191 = arith.constant dense<0x7F800000> : vector<16xf32>
    %reduce_min3A_192 = vector.multi_reduction <minimumf>, %select_n3A_190, %reduce_min3A_191 [1] : vector<16x4096xf32> to vector<16xf32>
    %broadcast_in_dim3A_193 = vector.shape_cast %reduce_min3A_192 : vector<16xf32> to vector<16x1xf32>
    %mul3A_194 = arith.constant 1.600000e+01 : f32
    %mul3A_195 = vector.broadcast %mul3A_194 : f32 to vector<16x1xf32>
    %mul3A_196 = arith.mulf %broadcast_in_dim3A_193, %mul3A_195 : vector<16x1xf32>
    %add3A_197 = arith.addf %mul3A_196, %convert_element_type3A_4 : vector<16x1xf32>
    %broadcast_in_dim3A_198 = vector.shape_cast %add3A_197 : vector<16x1xf32> to vector<16x1xf32>
    %broadcast_in_dim3A_199 = vector.broadcast %broadcast_in_dim3A_198 : vector<16x1xf32> to vector<16x16xf32>
    %dot_general3A_200 = arith.constant dense<0.000000e+00> : vector<16x16xf32>
    %dot_general3A_201 = tpu.matmul %broadcast_in_dim3A_199, %convert_element_type3A_9, %dot_general3A_200 {dimension_numbers = #tpu.dot_dimension_numbers<[0], [0], [1], [1], [0, 1, 1, 1], [], []>, transpose_lhs_hint = false} : vector<16x16xf32>, vector<16x16xf32>, vector<16x16xf32> -> vector<16x16xf32>
    %slice3A_202 = vector.extract_strided_slice %dot_general3A_201 {offsets = [0, 0], sizes = [1, 16], strides = [1, 1]} : vector<16x16xf32> to vector<1x16xf32>
    %swap3A_203 = arith.constant 3 : index
    %swap3A_204 = arith.constant 0 : index
    %swap3A_205 = vector.load %arg4[%swap3A_203, %swap3A_204] : memref<16x16xf32, #tpu.memory_space<vmem>>, vector<1x16xf32>
    tpu.vector_store %arg4[%swap3A_203, %swap3A_204], %slice3A_202 {strides = array<i32>} : memref<16x16xf32, #tpu.memory_space<vmem>>, vector<1x16xf32>,
    %reduce_sum3A_206 = vector.shape_cast %max3A_178 : vector<16x4096xf32> to vector<1x16x4096xf32>
    %reduce_sum3A_207 = arith.constant dense<0.000000e+00> : vector<1xf32>
    %reduce_sum3A_208 = vector.multi_reduction <add>, %reduce_sum3A_206, %reduce_sum3A_207 [1, 2] : vector<1x16x4096xf32> to vector<1xf32>
    %reduce_sum3A_209 = vector.shape_cast %reduce_sum3A_208 : vector<1xf32> to vector<1x1x1xf32>
    %reduce_sum3A_210 = vector.extract %reduce_sum3A_209[0, 0, 0] : f32 from vector<1x1x1xf32>
    %sub3A_211 = arith.subf %sub3A_157, %reduce_sum3A_210 : f32
    %get3A_212 = arith.constant 4 : index
    %get3A_213 = arith.constant 0 : index
    %get3A_214 = arith.constant 0 : index
    %get3A_215 = vector.load %arg1[%get3A_212, %get3A_213, %get3A_214] : memref<16x16x4096xf32, #tpu.memory_space<vmem>>, vector<1x16x4096xf32>
    %get3A_216 = vector.shape_cast %get3A_215 : vector<1x16x4096xf32> to vector<16x4096xf32>
    %get3A_217 = arith.constant 4 : index
    %get3A_218 = arith.constant 0 : index
    %get3A_219 = arith.constant 0 : index
    %get3A_220 = vector.load %arg2[%get3A_217, %get3A_218, %get3A_219] : memref<16x16x4096xf32, #tpu.memory_space<vmem>>, vector<1x16x4096xf32>
    %get3A_221 = vector.shape_cast %get3A_220 : vector<1x16x4096xf32> to vector<16x4096xf32>
    %log3A_222 = math.log %get3A_216 : vector<16x4096xf32>
    %max3A_223 = arith.constant -1.000000e+02 : f32
    %max3A_224 = vector.broadcast %max3A_223 : f32 to vector<16x4096xf32>
    %max3A_225 = arith.maximumf %log3A_222, %max3A_224 : vector<16x4096xf32>
    %sub3A_226 = arith.constant 1.000000e+00 : f32
    %sub3A_227 = vector.broadcast %sub3A_226 : f32 to vector<16x4096xf32>
    %sub3A_228 = arith.subf %sub3A_227, %get3A_216 : vector<16x4096xf32>
    %log3A_229 = math.log %sub3A_228 : vector<16x4096xf32>
    %max3A_230 = arith.constant -1.000000e+02 : f32
    %max3A_231 = vector.broadcast %max3A_230 : f32 to vector<16x4096xf32>
    %max3A_232 = arith.maximumf %log3A_229, %max3A_231 : vector<16x4096xf32>
    %sub3A_233 = arith.subf %max3A_225, %max3A_232 : vector<16x4096xf32>
    %dot_general3A_234 = arith.constant dense<0.000000e+00> : vector<16x16xf32>
    %dot_general3A_235 = tpu.matmul %get3A_221, %sub3A_233, %dot_general3A_234 {dimension_numbers = #tpu.dot_dimension_numbers<[1], [1], [0], [0], [0, 0, 1, 0], [], []>, transpose_lhs_hint = false} : vector<16x4096xf32>, vector<16x4096xf32>, vector<16x16xf32> -> vector<16x16xf32>
    %swap3A_236 = arith.constant 64 : index
    %swap3A_237 = arith.constant 0 : index
    %swap3A_238 = vector.load %arg3[%swap3A_236, %swap3A_237] : memref<256x16xf32, #tpu.memory_space<vmem>>, vector<16x16xf32>
    tpu.vector_store %arg3[%swap3A_236, %swap3A_237], %dot_general3A_235 {strides = array<i32>} : memref<256x16xf32, #tpu.memory_space<vmem>>, vector<16x16xf32>,
    %gt3A_239 = arith.constant 0.000000e+00 : f32
    %gt3A_240 = vector.broadcast %gt3A_239 : f32 to vector<16x4096xf32>
    %gt3A_241 = arith.cmpf ogt, %get3A_221, %gt3A_240 : vector<16x4096xf32>
    %jit3A_242 = arith.constant 6.553600e+04 : f32
    %broadcast_in_dim3A_243 = vector.broadcast %jit3A_242 : f32 to vector<16x4096xf32>
    %select_n3A_244 = arith.select %gt3A_241, %convert_element_type3A_2, %broadcast_in_dim3A_243 : vector<16x4096xi1>, vector<16x4096xf32>
    %reduce_min3A_245 = arith.constant dense<0x7F800000> : vector<16xf32>
    %reduce_min3A_246 = vector.multi_reduction <minimumf>, %select_n3A_244, %reduce_min3A_245 [1] : vector<16x4096xf32> to vector<16xf32>
    %broadcast_in_dim3A_247 = vector.shape_cast %reduce_min3A_246 : vector<16xf32> to vector<16x1xf32>
    %mul3A_248 = arith.constant 1.600000e+01 : f32
    %mul3A_249 = vector.broadcast %mul3A_248 : f32 to vector<16x1xf32>
    %mul3A_250 = arith.mulf %broadcast_in_dim3A_247, %mul3A_249 : vector<16x1xf32>
    %add3A_251 = arith.addf %mul3A_250, %convert_element_type3A_4 : vector<16x1xf32>
    %broadcast_in_dim3A_252 = vector.shape_cast %add3A_251 : vector<16x1xf32> to vector<16x1xf32>
    %broadcast_in_dim3A_253 = vector.broadcast %broadcast_in_dim3A_252 : vector<16x1xf32> to vector<16x16xf32>
    %dot_general3A_254 = arith.constant dense<0.000000e+00> : vector<16x16xf32>
    %dot_general3A_255 = tpu.matmul %broadcast_in_dim3A_253, %convert_element_type3A_9, %dot_general3A_254 {dimension_numbers = #tpu.dot_dimension_numbers<[0], [0], [1], [1], [0, 1, 1, 1], [], []>, transpose_lhs_hint = false} : vector<16x16xf32>, vector<16x16xf32>, vector<16x16xf32> -> vector<16x16xf32>
    %slice3A_256 = vector.extract_strided_slice %dot_general3A_255 {offsets = [0, 0], sizes = [1, 16], strides = [1, 1]} : vector<16x16xf32> to vector<1x16xf32>
    %swap3A_257 = arith.constant 4 : index
    %swap3A_258 = arith.constant 0 : index
    %swap3A_259 = vector.load %arg4[%swap3A_257, %swap3A_258] : memref<16x16xf32, #tpu.memory_space<vmem>>, vector<1x16xf32>
    tpu.vector_store %arg4[%swap3A_257, %swap3A_258], %slice3A_256 {strides = array<i32>} : memref<16x16xf32, #tpu.memory_space<vmem>>, vector<1x16xf32>,
    %reduce_sum3A_260 = vector.shape_cast %max3A_232 : vector<16x4096xf32> to vector<1x16x4096xf32>
    %reduce_sum3A_261 = arith.constant dense<0.000000e+00> : vector<1xf32>
    %reduce_sum3A_262 = vector.multi_reduction <add>, %reduce_sum3A_260, %reduce_sum3A_261 [1, 2] : vector<1x16x4096xf32> to vector<1xf32>
    %reduce_sum3A_263 = vector.shape_cast %reduce_sum3A_262 : vector<1xf32> to vector<1x1x1xf32>
    %reduce_sum3A_264 = vector.extract %reduce_sum3A_263[0, 0, 0] : f32 from vector<1x1x1xf32>
    %sub3A_265 = arith.subf %sub3A_211, %reduce_sum3A_264 : f32
    %get3A_266 = arith.constant 5 : index
    %get3A_267 = arith.constant 0 : index
    %get3A_268 = arith.constant 0 : index
    %get3A_269 = vector.load %arg1[%get3A_266, %get3A_267, %get3A_268] : memref<16x16x4096xf32, #tpu.memory_space<vmem>>, vector<1x16x4096xf32>
    %get3A_270 = vector.shape_cast %get3A_269 : vector<1x16x4096xf32> to vector<16x4096xf32>
    %get3A_271 = arith.constant 5 : index
    %get3A_272 = arith.constant 0 : index
    %get3A_273 = arith.constant 0 : index
    %get3A_274 = vector.load %arg2[%get3A_271, %get3A_272, %get3A_273] : memref<16x16x4096xf32, #tpu.memory_space<vmem>>, vector<1x16x4096xf32>
    %get3A_275 = vector.shape_cast %get3A_274 : vector<1x16x4096xf32> to vector<16x4096xf32>
    %log3A_276 = math.log %get3A_270 : vector<16x4096xf32>
    %max3A_277 = arith.constant -1.000000e+02 : f32
    %max3A_278 = vector.broadcast %max3A_277 : f32 to vector<16x4096xf32>
    %max3A_279 = arith.maximumf %log3A_276, %max3A_278 : vector<16x4096xf32>
    %sub3A_280 = arith.constant 1.000000e+00 : f32
    %sub3A_281 = vector.broadcast %sub3A_280 : f32 to vector<16x4096xf32>
    %sub3A_282 = arith.subf %sub3A_281, %get3A_270 : vector<16x4096xf32>
    %log3A_283 = math.log %sub3A_282 : vector<16x4096xf32>
    %max3A_284 = arith.constant -1.000000e+02 : f32
    %max3A_285 = vector.broadcast %max3A_284 : f32 to vector<16x4096xf32>
    %max3A_286 = arith.maximumf %log3A_283, %max3A_285 : vector<16x4096xf32>
    %sub3A_287 = arith.subf %max3A_279, %max3A_286 : vector<16x4096xf32>
    %dot_general3A_288 = arith.constant dense<0.000000e+00> : vector<16x16xf32>
    %dot_general3A_289 = tpu.matmul %get3A_275, %sub3A_287, %dot_general3A_288 {dimension_numbers = #tpu.dot_dimension_numbers<[1], [1], [0], [0], [0, 0, 1, 0], [], []>, transpose_lhs_hint = false} : vector<16x4096xf32>, vector<16x4096xf32>, vector<16x16xf32> -> vector<16x16xf32>
    %swap3A_290 = arith.constant 80 : index
    %swap3A_291 = arith.constant 0 : index
    %swap3A_292 = vector.load %arg3[%swap3A_290, %swap3A_291] : memref<256x16xf32, #tpu.memory_space<vmem>>, vector<16x16xf32>
    tpu.vector_store %arg3[%swap3A_290, %swap3A_291], %dot_general3A_289 {strides = array<i32>} : memref<256x16xf32, #tpu.memory_space<vmem>>, vector<16x16xf32>,
    %gt3A_293 = arith.constant 0.000000e+00 : f32
    %gt3A_294 = vector.broadcast %gt3A_293 : f32 to vector<16x4096xf32>
    %gt3A_295 = arith.cmpf ogt, %get3A_275, %gt3A_294 : vector<16x4096xf32>
    %jit3A_296 = arith.constant 6.553600e+04 : f32
    %broadcast_in_dim3A_297 = vector.broadcast %jit3A_296 : f32 to vector<16x4096xf32>
    %select_n3A_298 = arith.select %gt3A_295, %convert_element_type3A_2, %broadcast_in_dim3A_297 : vector<16x4096xi1>, vector<16x4096xf32>
    %reduce_min3A_299 = arith.constant dense<0x7F800000> : vector<16xf32>
    %reduce_min3A_300 = vector.multi_reduction <minimumf>, %select_n3A_298, %reduce_min3A_299 [1] : vector<16x4096xf32> to vector<16xf32>
    %broadcast_in_dim3A_301 = vector.shape_cast %reduce_min3A_300 : vector<16xf32> to vector<16x1xf32>
    %mul3A_302 = arith.constant 1.600000e+01 : f32
    %mul3A_303 = vector.broadcast %mul3A_302 : f32 to vector<16x1xf32>
    %mul3A_304 = arith.mulf %broadcast_in_dim3A_301, %mul3A_303 : vector<16x1xf32>
    %add3A_305 = arith.addf %mul3A_304, %convert_element_type3A_4 : vector<16x1xf32>
    %broadcast_in_dim3A_306 = vector.shape_cast %add3A_305 : vector<16x1xf32> to vector<16x1xf32>
    %broadcast_in_dim3A_307 = vector.broadcast %broadcast_in_dim3A_306 : vector<16x1xf32> to vector<16x16xf32>
    %dot_general3A_308 = arith.constant dense<0.000000e+00> : vector<16x16xf32>
    %dot_general3A_309 = tpu.matmul %broadcast_in_dim3A_307, %convert_element_type3A_9, %dot_general3A_308 {dimension_numbers = #tpu.dot_dimension_numbers<[0], [0], [1], [1], [0, 1, 1, 1], [], []>, transpose_lhs_hint = false} : vector<16x16xf32>, vector<16x16xf32>, vector<16x16xf32> -> vector<16x16xf32>
    %slice3A_310 = vector.extract_strided_slice %dot_general3A_309 {offsets = [0, 0], sizes = [1, 16], strides = [1, 1]} : vector<16x16xf32> to vector<1x16xf32>
    %swap3A_311 = arith.constant 5 : index
    %swap3A_312 = arith.constant 0 : index
    %swap3A_313 = vector.load %arg4[%swap3A_311, %swap3A_312] : memref<16x16xf32, #tpu.memory_space<vmem>>, vector<1x16xf32>
    tpu.vector_store %arg4[%swap3A_311, %swap3A_312], %slice3A_310 {strides = array<i32>} : memref<16x16xf32, #tpu.memory_space<vmem>>, vector<1x16xf32>,
    %reduce_sum3A_314 = vector.shape_cast %max3A_286 : vector<16x4096xf32> to vector<1x16x4096xf32>
    %reduce_sum3A_315 = arith.constant dense<0.000000e+00> : vector<1xf32>
    %reduce_sum3A_316 = vector.multi_reduction <add>, %reduce_sum3A_314, %reduce_sum3A_315 [1, 2] : vector<1x16x4096xf32> to vector<1xf32>
    %reduce_sum3A_317 = vector.shape_cast %reduce_sum3A_316 : vector<1xf32> to vector<1x1x1xf32>
    %reduce_sum3A_318 = vector.extract %reduce_sum3A_317[0, 0, 0] : f32 from vector<1x1x1xf32>
    %sub3A_319 = arith.subf %sub3A_265, %reduce_sum3A_318 : f32
    %get3A_320 = arith.constant 6 : index
    %get3A_321 = arith.constant 0 : index
    %get3A_322 = arith.constant 0 : index
    %get3A_323 = vector.load %arg1[%get3A_320, %get3A_321, %get3A_322] : memref<16x16x4096xf32, #tpu.memory_space<vmem>>, vector<1x16x4096xf32>
    %get3A_324 = vector.shape_cast %get3A_323 : vector<1x16x4096xf32> to vector<16x4096xf32>
    %get3A_325 = arith.constant 6 : index
    %get3A_326 = arith.constant 0 : index
    %get3A_327 = arith.constant 0 : index
    %get3A_328 = vector.load %arg2[%get3A_325, %get3A_326, %get3A_327] : memref<16x16x4096xf32, #tpu.memory_space<vmem>>, vector<1x16x4096xf32>
    %get3A_329 = vector.shape_cast %get3A_328 : vector<1x16x4096xf32> to vector<16x4096xf32>
    %log3A_330 = math.log %get3A_324 : vector<16x4096xf32>
    %max3A_331 = arith.constant -1.000000e+02 : f32
    %max3A_332 = vector.broadcast %max3A_331 : f32 to vector<16x4096xf32>
    %max3A_333 = arith.maximumf %log3A_330, %max3A_332 : vector<16x4096xf32>
    %sub3A_334 = arith.constant 1.000000e+00 : f32
    %sub3A_335 = vector.broadcast %sub3A_334 : f32 to vector<16x4096xf32>
    %sub3A_336 = arith.subf %sub3A_335, %get3A_324 : vector<16x4096xf32>
    %log3A_337 = math.log %sub3A_336 : vector<16x4096xf32>
    %max3A_338 = arith.constant -1.000000e+02 : f32
    %max3A_339 = vector.broadcast %max3A_338 : f32 to vector<16x4096xf32>
    %max3A_340 = arith.maximumf %log3A_337, %max3A_339 : vector<16x4096xf32>
    %sub3A_341 = arith.subf %max3A_333, %max3A_340 : vector<16x4096xf32>
    %dot_general3A_342 = arith.constant dense<0.000000e+00> : vector<16x16xf32>
    %dot_general3A_343 = tpu.matmul %get3A_329, %sub3A_341, %dot_general3A_342 {dimension_numbers = #tpu.dot_dimension_numbers<[1], [1], [0], [0], [0, 0, 1, 0], [], []>, transpose_lhs_hint = false} : vector<16x4096xf32>, vector<16x4096xf32>, vector<16x16xf32> -> vector<16x16xf32>
    %swap3A_344 = arith.constant 96 : index
    %swap3A_345 = arith.constant 0 : index
    %swap3A_346 = vector.load %arg3[%swap3A_344, %swap3A_345] : memref<256x16xf32, #tpu.memory_space<vmem>>, vector<16x16xf32>
    tpu.vector_store %arg3[%swap3A_344, %swap3A_345], %dot_general3A_343 {strides = array<i32>} : memref<256x16xf32, #tpu.memory_space<vmem>>, vector<16x16xf32>,
    %gt3A_347 = arith.constant 0.000000e+00 : f32
    %gt3A_348 = vector.broadcast %gt3A_347 : f32 to vector<16x4096xf32>
    %gt3A_349 = arith.cmpf ogt, %get3A_329, %gt3A_348 : vector<16x4096xf32>
    %jit3A_350 = arith.constant 6.553600e+04 : f32
    %broadcast_in_dim3A_351 = vector.broadcast %jit3A_350 : f32 to vector<16x4096xf32>
    %select_n3A_352 = arith.select %gt3A_349, %convert_element_type3A_2, %broadcast_in_dim3A_351 : vector<16x4096xi1>, vector<16x4096xf32>
    %reduce_min3A_353 = arith.constant dense<0x7F800000> : vector<16xf32>
    %reduce_min3A_354 = vector.multi_reduction <minimumf>, %select_n3A_352, %reduce_min3A_353 [1] : vector<16x4096xf32> to vector<16xf32>
    %broadcast_in_dim3A_355 = vector.shape_cast %reduce_min3A_354 : vector<16xf32> to vector<16x1xf32>
    %mul3A_356 = arith.constant 1.600000e+01 : f32
    %mul3A_357 = vector.broadcast %mul3A_356 : f32 to vector<16x1xf32>
    %mul3A_358 = arith.mulf %broadcast_in_dim3A_355, %mul3A_357 : vector<16x1xf32>
    %add3A_359 = arith.addf %mul3A_358, %convert_element_type3A_4 : vector<16x1xf32>
    %broadcast_in_dim3A_360 = vector.shape_cast %add3A_359 : vector<16x1xf32> to vector<16x1xf32>
    %broadcast_in_dim3A_361 = vector.broadcast %broadcast_in_dim3A_360 : vector<16x1xf32> to vector<16x16xf32>
    %dot_general3A_362 = arith.constant dense<0.000000e+00> : vector<16x16xf32>
    %dot_general3A_363 = tpu.matmul %broadcast_in_dim3A_361, %convert_element_type3A_9, %dot_general3A_362 {dimension_numbers = #tpu.dot_dimension_numbers<[0], [0], [1], [1], [0, 1, 1, 1], [], []>, transpose_lhs_hint = false} : vector<16x16xf32>, vector<16x16xf32>, vector<16x16xf32> -> vector<16x16xf32>
    %slice3A_364 = vector.extract_strided_slice %dot_general3A_363 {offsets = [0, 0], sizes = [1, 16], strides = [1, 1]} : vector<16x16xf32> to vector<1x16xf32>
    %swap3A_365 = arith.constant 6 : index
    %swap3A_366 = arith.constant 0 : index
    %swap3A_367 = vector.load %arg4[%swap3A_365, %swap3A_366] : memref<16x16xf32, #tpu.memory_space<vmem>>, vector<1x16xf32>
    tpu.vector_store %arg4[%swap3A_365, %swap3A_366], %slice3A_364 {strides = array<i32>} : memref<16x16xf32, #tpu.memory_space<vmem>>, vector<1x16xf32>,
    %reduce_sum3A_368 = vector.shape_cast %max3A_340 : vector<16x4096xf32> to vector<1x16x4096xf32>
    %reduce_sum3A_369 = arith.constant dense<0.000000e+00> : vector<1xf32>
    %reduce_sum3A_370 = vector.multi_reduction <add>, %reduce_sum3A_368, %reduce_sum3A_369 [1, 2] : vector<1x16x4096xf32> to vector<1xf32>
    %reduce_sum3A_371 = vector.shape_cast %reduce_sum3A_370 : vector<1xf32> to vector<1x1x1xf32>
    %reduce_sum3A_372 = vector.extract %reduce_sum3A_371[0, 0, 0] : f32 from vector<1x1x1xf32>
    %sub3A_373 = arith.subf %sub3A_319, %reduce_sum3A_372 : f32
    %get3A_374 = arith.constant 7 : index
    %get3A_375 = arith.constant 0 : index
    %get3A_376 = arith.constant 0 : index
    %get3A_377 = vector.load %arg1[%get3A_374, %get3A_375, %get3A_376] : memref<16x16x4096xf32, #tpu.memory_space<vmem>>, vector<1x16x4096xf32>
    %get3A_378 = vector.shape_cast %get3A_377 : vector<1x16x4096xf32> to vector<16x4096xf32>
    %get3A_379 = arith.constant 7 : index
    %get3A_380 = arith.constant 0 : index
    %get3A_381 = arith.constant 0 : index
    %get3A_382 = vector.load %arg2[%get3A_379, %get3A_380, %get3A_381] : memref<16x16x4096xf32, #tpu.memory_space<vmem>>, vector<1x16x4096xf32>
    %get3A_383 = vector.shape_cast %get3A_382 : vector<1x16x4096xf32> to vector<16x4096xf32>
    %log3A_384 = math.log %get3A_378 : vector<16x4096xf32>
    %max3A_385 = arith.constant -1.000000e+02 : f32
    %max3A_386 = vector.broadcast %max3A_385 : f32 to vector<16x4096xf32>
    %max3A_387 = arith.maximumf %log3A_384, %max3A_386 : vector<16x4096xf32>
    %sub3A_388 = arith.constant 1.000000e+00 : f32
    %sub3A_389 = vector.broadcast %sub3A_388 : f32 to vector<16x4096xf32>
    %sub3A_390 = arith.subf %sub3A_389, %get3A_378 : vector<16x4096xf32>
    %log3A_391 = math.log %sub3A_390 : vector<16x4096xf32>
    %max3A_392 = arith.constant -1.000000e+02 : f32
    %max3A_393 = vector.broadcast %max3A_392 : f32 to vector<16x4096xf32>
    %max3A_394 = arith.maximumf %log3A_391, %max3A_393 : vector<16x4096xf32>
    %sub3A_395 = arith.subf %max3A_387, %max3A_394 : vector<16x4096xf32>
    %dot_general3A_396 = arith.constant dense<0.000000e+00> : vector<16x16xf32>
    %dot_general3A_397 = tpu.matmul %get3A_383, %sub3A_395, %dot_general3A_396 {dimension_numbers = #tpu.dot_dimension_numbers<[1], [1], [0], [0], [0, 0, 1, 0], [], []>, transpose_lhs_hint = false} : vector<16x4096xf32>, vector<16x4096xf32>, vector<16x16xf32> -> vector<16x16xf32>
    %swap3A_398 = arith.constant 112 : index
    %swap3A_399 = arith.constant 0 : index
    %swap3A_400 = vector.load %arg3[%swap3A_398, %swap3A_399] : memref<256x16xf32, #tpu.memory_space<vmem>>, vector<16x16xf32>
    tpu.vector_store %arg3[%swap3A_398, %swap3A_399], %dot_general3A_397 {strides = array<i32>} : memref<256x16xf32, #tpu.memory_space<vmem>>, vector<16x16xf32>,
    %gt3A_401 = arith.constant 0.000000e+00 : f32
    %gt3A_402 = vector.broadcast %gt3A_401 : f32 to vector<16x4096xf32>
    %gt3A_403 = arith.cmpf ogt, %get3A_383, %gt3A_402 : vector<16x4096xf32>
    %jit3A_404 = arith.constant 6.553600e+04 : f32
    %broadcast_in_dim3A_405 = vector.broadcast %jit3A_404 : f32 to vector<16x4096xf32>
    %select_n3A_406 = arith.select %gt3A_403, %convert_element_type3A_2, %broadcast_in_dim3A_405 : vector<16x4096xi1>, vector<16x4096xf32>
    %reduce_min3A_407 = arith.constant dense<0x7F800000> : vector<16xf32>
    %reduce_min3A_408 = vector.multi_reduction <minimumf>, %select_n3A_406, %reduce_min3A_407 [1] : vector<16x4096xf32> to vector<16xf32>
    %broadcast_in_dim3A_409 = vector.shape_cast %reduce_min3A_408 : vector<16xf32> to vector<16x1xf32>
    %mul3A_410 = arith.constant 1.600000e+01 : f32
    %mul3A_411 = vector.broadcast %mul3A_410 : f32 to vector<16x1xf32>
    %mul3A_412 = arith.mulf %broadcast_in_dim3A_409, %mul3A_411 : vector<16x1xf32>
    %add3A_413 = arith.addf %mul3A_412, %convert_element_type3A_4 : vector<16x1xf32>
    %broadcast_in_dim3A_414 = vector.shape_cast %add3A_413 : vector<16x1xf32> to vector<16x1xf32>
    %broadcast_in_dim3A_415 = vector.broadcast %broadcast_in_dim3A_414 : vector<16x1xf32> to vector<16x16xf32>
    %dot_general3A_416 = arith.constant dense<0.000000e+00> : vector<16x16xf32>
    %dot_general3A_417 = tpu.matmul %broadcast_in_dim3A_415, %convert_element_type3A_9, %dot_general3A_416 {dimension_numbers = #tpu.dot_dimension_numbers<[0], [0], [1], [1], [0, 1, 1, 1], [], []>, transpose_lhs_hint = false} : vector<16x16xf32>, vector<16x16xf32>, vector<16x16xf32> -> vector<16x16xf32>
    %slice3A_418 = vector.extract_strided_slice %dot_general3A_417 {offsets = [0, 0], sizes = [1, 16], strides = [1, 1]} : vector<16x16xf32> to vector<1x16xf32>
    %swap3A_419 = arith.constant 7 : index
    %swap3A_420 = arith.constant 0 : index
    %swap3A_421 = vector.load %arg4[%swap3A_419, %swap3A_420] : memref<16x16xf32, #tpu.memory_space<vmem>>, vector<1x16xf32>
    tpu.vector_store %arg4[%swap3A_419, %swap3A_420], %slice3A_418 {strides = array<i32>} : memref<16x16xf32, #tpu.memory_space<vmem>>, vector<1x16xf32>,
    %reduce_sum3A_422 = vector.shape_cast %max3A_394 : vector<16x4096xf32> to vector<1x16x4096xf32>
    %reduce_sum3A_423 = arith.constant dense<0.000000e+00> : vector<1xf32>
    %reduce_sum3A_424 = vector.multi_reduction <add>, %reduce_sum3A_422, %reduce_sum3A_423 [1, 2] : vector<1x16x4096xf32> to vector<1xf32>
    %reduce_sum3A_425 = vector.shape_cast %reduce_sum3A_424 : vector<1xf32> to vector<1x1x1xf32>
    %reduce_sum3A_426 = vector.extract %reduce_sum3A_425[0, 0, 0] : f32 from vector<1x1x1xf32>
    %sub3A_427 = arith.subf %sub3A_373, %reduce_sum3A_426 : f32
    %get3A_428 = arith.constant 8 : index
    %get3A_429 = arith.constant 0 : index
    %get3A_430 = arith.constant 0 : index
    %get3A_431 = vector.load %arg1[%get3A_428, %get3A_429, %get3A_430] : memref<16x16x4096xf32, #tpu.memory_space<vmem>>, vector<1x16x4096xf32>
    %get3A_432 = vector.shape_cast %get3A_431 : vector<1x16x4096xf32> to vector<16x4096xf32>
    %get3A_433 = arith.constant 8 : index
    %get3A_434 = arith.constant 0 : index
    %get3A_435 = arith.constant 0 : index
    %get3A_436 = vector.load %arg2[%get3A_433, %get3A_434, %get3A_435] : memref<16x16x4096xf32, #tpu.memory_space<vmem>>, vector<1x16x4096xf32>
    %get3A_437 = vector.shape_cast %get3A_436 : vector<1x16x4096xf32> to vector<16x4096xf32>
    %log3A_438 = math.log %get3A_432 : vector<16x4096xf32>
    %max3A_439 = arith.constant -1.000000e+02 : f32
    %max3A_440 = vector.broadcast %max3A_439 : f32 to vector<16x4096xf32>
    %max3A_441 = arith.maximumf %log3A_438, %max3A_440 : vector<16x4096xf32>
    %sub3A_442 = arith.constant 1.000000e+00 : f32
    %sub3A_443 = vector.broadcast %sub3A_442 : f32 to vector<16x4096xf32>
    %sub3A_444 = arith.subf %sub3A_443, %get3A_432 : vector<16x4096xf32>
    %log3A_445 = math.log %sub3A_444 : vector<16x4096xf32>
    %max3A_446 = arith.constant -1.000000e+02 : f32
    %max3A_447 = vector.broadcast %max3A_446 : f32 to vector<16x4096xf32>
    %max3A_448 = arith.maximumf %log3A_445, %max3A_447 : vector<16x4096xf32>
    %sub3A_449 = arith.subf %max3A_441, %max3A_448 : vector<16x4096xf32>
    %dot_general3A_450 = arith.constant dense<0.000000e+00> : vector<16x16xf32>
    %dot_general3A_451 = tpu.matmul %get3A_437, %sub3A_449, %dot_general3A_450 {dimension_numbers = #tpu.dot_dimension_numbers<[1], [1], [0], [0], [0, 0, 1, 0], [], []>, transpose_lhs_hint = false} : vector<16x4096xf32>, vector<16x4096xf32>, vector<16x16xf32> -> vector<16x16xf32>
    %swap3A_452 = arith.constant 128 : index
    %swap3A_453 = arith.constant 0 : index
    %swap3A_454 = vector.load %arg3[%swap3A_452, %swap3A_453] : memref<256x16xf32, #tpu.memory_space<vmem>>, vector<16x16xf32>
    tpu.vector_store %arg3[%swap3A_452, %swap3A_453], %dot_general3A_451 {strides = array<i32>} : memref<256x16xf32, #tpu.memory_space<vmem>>, vector<16x16xf32>,
    %gt3A_455 = arith.constant 0.000000e+00 : f32
    %gt3A_456 = vector.broadcast %gt3A_455 : f32 to vector<16x4096xf32>
    %gt3A_457 = arith.cmpf ogt, %get3A_437, %gt3A_456 : vector<16x4096xf32>
    %jit3A_458 = arith.constant 6.553600e+04 : f32
    %broadcast_in_dim3A_459 = vector.broadcast %jit3A_458 : f32 to vector<16x4096xf32>
    %select_n3A_460 = arith.select %gt3A_457, %convert_element_type3A_2, %broadcast_in_dim3A_459 : vector<16x4096xi1>, vector<16x4096xf32>
    %reduce_min3A_461 = arith.constant dense<0x7F800000> : vector<16xf32>
    %reduce_min3A_462 = vector.multi_reduction <minimumf>, %select_n3A_460, %reduce_min3A_461 [1] : vector<16x4096xf32> to vector<16xf32>
    %broadcast_in_dim3A_463 = vector.shape_cast %reduce_min3A_462 : vector<16xf32> to vector<16x1xf32>
    %mul3A_464 = arith.constant 1.600000e+01 : f32
    %mul3A_465 = vector.broadcast %mul3A_464 : f32 to vector<16x1xf32>
    %mul3A_466 = arith.mulf %broadcast_in_dim3A_463, %mul3A_465 : vector<16x1xf32>
    %add3A_467 = arith.addf %mul3A_466, %convert_element_type3A_4 : vector<16x1xf32>
    %broadcast_in_dim3A_468 = vector.shape_cast %add3A_467 : vector<16x1xf32> to vector<16x1xf32>
    %broadcast_in_dim3A_469 = vector.broadcast %broadcast_in_dim3A_468 : vector<16x1xf32> to vector<16x16xf32>
    %dot_general3A_470 = arith.constant dense<0.000000e+00> : vector<16x16xf32>
    %dot_general3A_471 = tpu.matmul %broadcast_in_dim3A_469, %convert_element_type3A_9, %dot_general3A_470 {dimension_numbers = #tpu.dot_dimension_numbers<[0], [0], [1], [1], [0, 1, 1, 1], [], []>, transpose_lhs_hint = false} : vector<16x16xf32>, vector<16x16xf32>, vector<16x16xf32> -> vector<16x16xf32>
    %slice3A_472 = vector.extract_strided_slice %dot_general3A_471 {offsets = [0, 0], sizes = [1, 16], strides = [1, 1]} : vector<16x16xf32> to vector<1x16xf32>
    %swap3A_473 = arith.constant 8 : index
    %swap3A_474 = arith.constant 0 : index
    %swap3A_475 = vector.load %arg4[%swap3A_473, %swap3A_474] : memref<16x16xf32, #tpu.memory_space<vmem>>, vector<1x16xf32>
    tpu.vector_store %arg4[%swap3A_473, %swap3A_474], %slice3A_472 {strides = array<i32>} : memref<16x16xf32, #tpu.memory_space<vmem>>, vector<1x16xf32>,
    %reduce_sum3A_476 = vector.shape_cast %max3A_448 : vector<16x4096xf32> to vector<1x16x4096xf32>
    %reduce_sum3A_477 = arith.constant dense<0.000000e+00> : vector<1xf32>
    %reduce_sum3A_478 = vector.multi_reduction <add>, %reduce_sum3A_476, %reduce_sum3A_477 [1, 2] : vector<1x16x4096xf32> to vector<1xf32>
    %reduce_sum3A_479 = vector.shape_cast %reduce_sum3A_478 : vector<1xf32> to vector<1x1x1xf32>
    %reduce_sum3A_480 = vector.extract %reduce_sum3A_479[0, 0, 0] : f32 from vector<1x1x1xf32>
    %sub3A_481 = arith.subf %sub3A_427, %reduce_sum3A_480 : f32
    %get3A_482 = arith.constant 9 : index
    %get3A_483 = arith.constant 0 : index
    %get3A_484 = arith.constant 0 : index
    %get3A_485 = vector.load %arg1[%get3A_482, %get3A_483, %get3A_484] : memref<16x16x4096xf32, #tpu.memory_space<vmem>>, vector<1x16x4096xf32>
    %get3A_486 = vector.shape_cast %get3A_485 : vector<1x16x4096xf32> to vector<16x4096xf32>
    %get3A_487 = arith.constant 9 : index
    %get3A_488 = arith.constant 0 : index
    %get3A_489 = arith.constant 0 : index
    %get3A_490 = vector.load %arg2[%get3A_487, %get3A_488, %get3A_489] : memref<16x16x4096xf32, #tpu.memory_space<vmem>>, vector<1x16x4096xf32>
    %get3A_491 = vector.shape_cast %get3A_490 : vector<1x16x4096xf32> to vector<16x4096xf32>
    %log3A_492 = math.log %get3A_486 : vector<16x4096xf32>
    %max3A_493 = arith.constant -1.000000e+02 : f32
    %max3A_494 = vector.broadcast %max3A_493 : f32 to vector<16x4096xf32>
    %max3A_495 = arith.maximumf %log3A_492, %max3A_494 : vector<16x4096xf32>
    %sub3A_496 = arith.constant 1.000000e+00 : f32
    %sub3A_497 = vector.broadcast %sub3A_496 : f32 to vector<16x4096xf32>
    %sub3A_498 = arith.subf %sub3A_497, %get3A_486 : vector<16x4096xf32>
    %log3A_499 = math.log %sub3A_498 : vector<16x4096xf32>
    %max3A_500 = arith.constant -1.000000e+02 : f32
    %max3A_501 = vector.broadcast %max3A_500 : f32 to vector<16x4096xf32>
    %max3A_502 = arith.maximumf %log3A_499, %max3A_501 : vector<16x4096xf32>
    %sub3A_503 = arith.subf %max3A_495, %max3A_502 : vector<16x4096xf32>
    %dot_general3A_504 = arith.constant dense<0.000000e+00> : vector<16x16xf32>
    %dot_general3A_505 = tpu.matmul %get3A_491, %sub3A_503, %dot_general3A_504 {dimension_numbers = #tpu.dot_dimension_numbers<[1], [1], [0], [0], [0, 0, 1, 0], [], []>, transpose_lhs_hint = false} : vector<16x4096xf32>, vector<16x4096xf32>, vector<16x16xf32> -> vector<16x16xf32>
    %swap3A_506 = arith.constant 144 : index
    %swap3A_507 = arith.constant 0 : index
    %swap3A_508 = vector.load %arg3[%swap3A_506, %swap3A_507] : memref<256x16xf32, #tpu.memory_space<vmem>>, vector<16x16xf32>
    tpu.vector_store %arg3[%swap3A_506, %swap3A_507], %dot_general3A_505 {strides = array<i32>} : memref<256x16xf32, #tpu.memory_space<vmem>>, vector<16x16xf32>,
    %gt3A_509 = arith.constant 0.000000e+00 : f32
    %gt3A_510 = vector.broadcast %gt3A_509 : f32 to vector<16x4096xf32>
    %gt3A_511 = arith.cmpf ogt, %get3A_491, %gt3A_510 : vector<16x4096xf32>
    %jit3A_512 = arith.constant 6.553600e+04 : f32
    %broadcast_in_dim3A_513 = vector.broadcast %jit3A_512 : f32 to vector<16x4096xf32>
    %select_n3A_514 = arith.select %gt3A_511, %convert_element_type3A_2, %broadcast_in_dim3A_513 : vector<16x4096xi1>, vector<16x4096xf32>
    %reduce_min3A_515 = arith.constant dense<0x7F800000> : vector<16xf32>
    %reduce_min3A_516 = vector.multi_reduction <minimumf>, %select_n3A_514, %reduce_min3A_515 [1] : vector<16x4096xf32> to vector<16xf32>
    %broadcast_in_dim3A_517 = vector.shape_cast %reduce_min3A_516 : vector<16xf32> to vector<16x1xf32>
    %mul3A_518 = arith.constant 1.600000e+01 : f32
    %mul3A_519 = vector.broadcast %mul3A_518 : f32 to vector<16x1xf32>
    %mul3A_520 = arith.mulf %broadcast_in_dim3A_517, %mul3A_519 : vector<16x1xf32>
    %add3A_521 = arith.addf %mul3A_520, %convert_element_type3A_4 : vector<16x1xf32>
    %broadcast_in_dim3A_522 = vector.shape_cast %add3A_521 : vector<16x1xf32> to vector<16x1xf32>
    %broadcast_in_dim3A_523 = vector.broadcast %broadcast_in_dim3A_522 : vector<16x1xf32> to vector<16x16xf32>
    %dot_general3A_524 = arith.constant dense<0.000000e+00> : vector<16x16xf32>
    %dot_general3A_525 = tpu.matmul %broadcast_in_dim3A_523, %convert_element_type3A_9, %dot_general3A_524 {dimension_numbers = #tpu.dot_dimension_numbers<[0], [0], [1], [1], [0, 1, 1, 1], [], []>, transpose_lhs_hint = false} : vector<16x16xf32>, vector<16x16xf32>, vector<16x16xf32> -> vector<16x16xf32>
    %slice3A_526 = vector.extract_strided_slice %dot_general3A_525 {offsets = [0, 0], sizes = [1, 16], strides = [1, 1]} : vector<16x16xf32> to vector<1x16xf32>
    %swap3A_527 = arith.constant 9 : index
    %swap3A_528 = arith.constant 0 : index
    %swap3A_529 = vector.load %arg4[%swap3A_527, %swap3A_528] : memref<16x16xf32, #tpu.memory_space<vmem>>, vector<1x16xf32>
    tpu.vector_store %arg4[%swap3A_527, %swap3A_528], %slice3A_526 {strides = array<i32>} : memref<16x16xf32, #tpu.memory_space<vmem>>, vector<1x16xf32>,
    %reduce_sum3A_530 = vector.shape_cast %max3A_502 : vector<16x4096xf32> to vector<1x16x4096xf32>
    %reduce_sum3A_531 = arith.constant dense<0.000000e+00> : vector<1xf32>
    %reduce_sum3A_532 = vector.multi_reduction <add>, %reduce_sum3A_530, %reduce_sum3A_531 [1, 2] : vector<1x16x4096xf32> to vector<1xf32>
    %reduce_sum3A_533 = vector.shape_cast %reduce_sum3A_532 : vector<1xf32> to vector<1x1x1xf32>
    %reduce_sum3A_534 = vector.extract %reduce_sum3A_533[0, 0, 0] : f32 from vector<1x1x1xf32>
    %sub3A_535 = arith.subf %sub3A_481, %reduce_sum3A_534 : f32
    %get3A_536 = arith.constant 10 : index
    %get3A_537 = arith.constant 0 : index
    %get3A_538 = arith.constant 0 : index
    %get3A_539 = vector.load %arg1[%get3A_536, %get3A_537, %get3A_538] : memref<16x16x4096xf32, #tpu.memory_space<vmem>>, vector<1x16x4096xf32>
    %get3A_540 = vector.shape_cast %get3A_539 : vector<1x16x4096xf32> to vector<16x4096xf32>
    %get3A_541 = arith.constant 10 : index
    %get3A_542 = arith.constant 0 : index
    %get3A_543 = arith.constant 0 : index
    %get3A_544 = vector.load %arg2[%get3A_541, %get3A_542, %get3A_543] : memref<16x16x4096xf32, #tpu.memory_space<vmem>>, vector<1x16x4096xf32>
    %get3A_545 = vector.shape_cast %get3A_544 : vector<1x16x4096xf32> to vector<16x4096xf32>
    %log3A_546 = math.log %get3A_540 : vector<16x4096xf32>
    %max3A_547 = arith.constant -1.000000e+02 : f32
    %max3A_548 = vector.broadcast %max3A_547 : f32 to vector<16x4096xf32>
    %max3A_549 = arith.maximumf %log3A_546, %max3A_548 : vector<16x4096xf32>
    %sub3A_550 = arith.constant 1.000000e+00 : f32
    %sub3A_551 = vector.broadcast %sub3A_550 : f32 to vector<16x4096xf32>
    %sub3A_552 = arith.subf %sub3A_551, %get3A_540 : vector<16x4096xf32>
    %log3A_553 = math.log %sub3A_552 : vector<16x4096xf32>
    %max3A_554 = arith.constant -1.000000e+02 : f32
    %max3A_555 = vector.broadcast %max3A_554 : f32 to vector<16x4096xf32>
    %max3A_556 = arith.maximumf %log3A_553, %max3A_555 : vector<16x4096xf32>
    %sub3A_557 = arith.subf %max3A_549, %max3A_556 : vector<16x4096xf32>
    %dot_general3A_558 = arith.constant dense<0.000000e+00> : vector<16x16xf32>
    %dot_general3A_559 = tpu.matmul %get3A_545, %sub3A_557, %dot_general3A_558 {dimension_numbers = #tpu.dot_dimension_numbers<[1], [1], [0], [0], [0, 0, 1, 0], [], []>, transpose_lhs_hint = false} : vector<16x4096xf32>, vector<16x4096xf32>, vector<16x16xf32> -> vector<16x16xf32>
    %swap3A_560 = arith.constant 160 : index
    %swap3A_561 = arith.constant 0 : index
    %swap3A_562 = vector.load %arg3[%swap3A_560, %swap3A_561] : memref<256x16xf32, #tpu.memory_space<vmem>>, vector<16x16xf32>
    tpu.vector_store %arg3[%swap3A_560, %swap3A_561], %dot_general3A_559 {strides = array<i32>} : memref<256x16xf32, #tpu.memory_space<vmem>>, vector<16x16xf32>,
    %gt3A_563 = arith.constant 0.000000e+00 : f32
    %gt3A_564 = vector.broadcast %gt3A_563 : f32 to vector<16x4096xf32>
    %gt3A_565 = arith.cmpf ogt, %get3A_545, %gt3A_564 : vector<16x4096xf32>
    %jit3A_566 = arith.constant 6.553600e+04 : f32
    %broadcast_in_dim3A_567 = vector.broadcast %jit3A_566 : f32 to vector<16x4096xf32>
    %select_n3A_568 = arith.select %gt3A_565, %convert_element_type3A_2, %broadcast_in_dim3A_567 : vector<16x4096xi1>, vector<16x4096xf32>
    %reduce_min3A_569 = arith.constant dense<0x7F800000> : vector<16xf32>
    %reduce_min3A_570 = vector.multi_reduction <minimumf>, %select_n3A_568, %reduce_min3A_569 [1] : vector<16x4096xf32> to vector<16xf32>
    %broadcast_in_dim3A_571 = vector.shape_cast %reduce_min3A_570 : vector<16xf32> to vector<16x1xf32>
    %mul3A_572 = arith.constant 1.600000e+01 : f32
    %mul3A_573 = vector.broadcast %mul3A_572 : f32 to vector<16x1xf32>
    %mul3A_574 = arith.mulf %broadcast_in_dim3A_571, %mul3A_573 : vector<16x1xf32>
    %add3A_575 = arith.addf %mul3A_574, %convert_element_type3A_4 : vector<16x1xf32>
    %broadcast_in_dim3A_576 = vector.shape_cast %add3A_575 : vector<16x1xf32> to vector<16x1xf32>
    %broadcast_in_dim3A_577 = vector.broadcast %broadcast_in_dim3A_576 : vector<16x1xf32> to vector<16x16xf32>
    %dot_general3A_578 = arith.constant dense<0.000000e+00> : vector<16x16xf32>
    %dot_general3A_579 = tpu.matmul %broadcast_in_dim3A_577, %convert_element_type3A_9, %dot_general3A_578 {dimension_numbers = #tpu.dot_dimension_numbers<[0], [0], [1], [1], [0, 1, 1, 1], [], []>, transpose_lhs_hint = false} : vector<16x16xf32>, vector<16x16xf32>, vector<16x16xf32> -> vector<16x16xf32>
    %slice3A_580 = vector.extract_strided_slice %dot_general3A_579 {offsets = [0, 0], sizes = [1, 16], strides = [1, 1]} : vector<16x16xf32> to vector<1x16xf32>
    %swap3A_581 = arith.constant 10 : index
    %swap3A_582 = arith.constant 0 : index
    %swap3A_583 = vector.load %arg4[%swap3A_581, %swap3A_582] : memref<16x16xf32, #tpu.memory_space<vmem>>, vector<1x16xf32>
    tpu.vector_store %arg4[%swap3A_581, %swap3A_582], %slice3A_580 {strides = array<i32>} : memref<16x16xf32, #tpu.memory_space<vmem>>, vector<1x16xf32>,
    %reduce_sum3A_584 = vector.shape_cast %max3A_556 : vector<16x4096xf32> to vector<1x16x4096xf32>
    %reduce_sum3A_585 = arith.constant dense<0.000000e+00> : vector<1xf32>
    %reduce_sum3A_586 = vector.multi_reduction <add>, %reduce_sum3A_584, %reduce_sum3A_585 [1, 2] : vector<1x16x4096xf32> to vector<1xf32>
    %reduce_sum3A_587 = vector.shape_cast %reduce_sum3A_586 : vector<1xf32> to vector<1x1x1xf32>
    %reduce_sum3A_588 = vector.extract %reduce_sum3A_587[0, 0, 0] : f32 from vector<1x1x1xf32>
    %sub3A_589 = arith.subf %sub3A_535, %reduce_sum3A_588 : f32
    %get3A_590 = arith.constant 11 : index
    %get3A_591 = arith.constant 0 : index
    %get3A_592 = arith.constant 0 : index
    %get3A_593 = vector.load %arg1[%get3A_590, %get3A_591, %get3A_592] : memref<16x16x4096xf32, #tpu.memory_space<vmem>>, vector<1x16x4096xf32>
    %get3A_594 = vector.shape_cast %get3A_593 : vector<1x16x4096xf32> to vector<16x4096xf32>
    %get3A_595 = arith.constant 11 : index
    %get3A_596 = arith.constant 0 : index
    %get3A_597 = arith.constant 0 : index
    %get3A_598 = vector.load %arg2[%get3A_595, %get3A_596, %get3A_597] : memref<16x16x4096xf32, #tpu.memory_space<vmem>>, vector<1x16x4096xf32>
    %get3A_599 = vector.shape_cast %get3A_598 : vector<1x16x4096xf32> to vector<16x4096xf32>
    %log3A_600 = math.log %get3A_594 : vector<16x4096xf32>
    %max3A_601 = arith.constant -1.000000e+02 : f32
    %max3A_602 = vector.broadcast %max3A_601 : f32 to vector<16x4096xf32>
    %max3A_603 = arith.maximumf %log3A_600, %max3A_602 : vector<16x4096xf32>
    %sub3A_604 = arith.constant 1.000000e+00 : f32
    %sub3A_605 = vector.broadcast %sub3A_604 : f32 to vector<16x4096xf32>
    %sub3A_606 = arith.subf %sub3A_605, %get3A_594 : vector<16x4096xf32>
    %log3A_607 = math.log %sub3A_606 : vector<16x4096xf32>
    %max3A_608 = arith.constant -1.000000e+02 : f32
    %max3A_609 = vector.broadcast %max3A_608 : f32 to vector<16x4096xf32>
    %max3A_610 = arith.maximumf %log3A_607, %max3A_609 : vector<16x4096xf32>
    %sub3A_611 = arith.subf %max3A_603, %max3A_610 : vector<16x4096xf32>
    %dot_general3A_612 = arith.constant dense<0.000000e+00> : vector<16x16xf32>
    %dot_general3A_613 = tpu.matmul %get3A_599, %sub3A_611, %dot_general3A_612 {dimension_numbers = #tpu.dot_dimension_numbers<[1], [1], [0], [0], [0, 0, 1, 0], [], []>, transpose_lhs_hint = false} : vector<16x4096xf32>, vector<16x4096xf32>, vector<16x16xf32> -> vector<16x16xf32>
    %swap3A_614 = arith.constant 176 : index
    %swap3A_615 = arith.constant 0 : index
    %swap3A_616 = vector.load %arg3[%swap3A_614, %swap3A_615] : memref<256x16xf32, #tpu.memory_space<vmem>>, vector<16x16xf32>
    tpu.vector_store %arg3[%swap3A_614, %swap3A_615], %dot_general3A_613 {strides = array<i32>} : memref<256x16xf32, #tpu.memory_space<vmem>>, vector<16x16xf32>,
    %gt3A_617 = arith.constant 0.000000e+00 : f32
    %gt3A_618 = vector.broadcast %gt3A_617 : f32 to vector<16x4096xf32>
    %gt3A_619 = arith.cmpf ogt, %get3A_599, %gt3A_618 : vector<16x4096xf32>
    %jit3A_620 = arith.constant 6.553600e+04 : f32
    %broadcast_in_dim3A_621 = vector.broadcast %jit3A_620 : f32 to vector<16x4096xf32>
    %select_n3A_622 = arith.select %gt3A_619, %convert_element_type3A_2, %broadcast_in_dim3A_621 : vector<16x4096xi1>, vector<16x4096xf32>
    %reduce_min3A_623 = arith.constant dense<0x7F800000> : vector<16xf32>
    %reduce_min3A_624 = vector.multi_reduction <minimumf>, %select_n3A_622, %reduce_min3A_623 [1] : vector<16x4096xf32> to vector<16xf32>
    %broadcast_in_dim3A_625 = vector.shape_cast %reduce_min3A_624 : vector<16xf32> to vector<16x1xf32>
    %mul3A_626 = arith.constant 1.600000e+01 : f32
    %mul3A_627 = vector.broadcast %mul3A_626 : f32 to vector<16x1xf32>
    %mul3A_628 = arith.mulf %broadcast_in_dim3A_625, %mul3A_627 : vector<16x1xf32>
    %add3A_629 = arith.addf %mul3A_628, %convert_element_type3A_4 : vector<16x1xf32>
    %broadcast_in_dim3A_630 = vector.shape_cast %add3A_629 : vector<16x1xf32> to vector<16x1xf32>
    %broadcast_in_dim3A_631 = vector.broadcast %broadcast_in_dim3A_630 : vector<16x1xf32> to vector<16x16xf32>
    %dot_general3A_632 = arith.constant dense<0.000000e+00> : vector<16x16xf32>
    %dot_general3A_633 = tpu.matmul %broadcast_in_dim3A_631, %convert_element_type3A_9, %dot_general3A_632 {dimension_numbers = #tpu.dot_dimension_numbers<[0], [0], [1], [1], [0, 1, 1, 1], [], []>, transpose_lhs_hint = false} : vector<16x16xf32>, vector<16x16xf32>, vector<16x16xf32> -> vector<16x16xf32>
    %slice3A_634 = vector.extract_strided_slice %dot_general3A_633 {offsets = [0, 0], sizes = [1, 16], strides = [1, 1]} : vector<16x16xf32> to vector<1x16xf32>
    %swap3A_635 = arith.constant 11 : index
    %swap3A_636 = arith.constant 0 : index
    %swap3A_637 = vector.load %arg4[%swap3A_635, %swap3A_636] : memref<16x16xf32, #tpu.memory_space<vmem>>, vector<1x16xf32>
    tpu.vector_store %arg4[%swap3A_635, %swap3A_636], %slice3A_634 {strides = array<i32>} : memref<16x16xf32, #tpu.memory_space<vmem>>, vector<1x16xf32>,
    %reduce_sum3A_638 = vector.shape_cast %max3A_610 : vector<16x4096xf32> to vector<1x16x4096xf32>
    %reduce_sum3A_639 = arith.constant dense<0.000000e+00> : vector<1xf32>
    %reduce_sum3A_640 = vector.multi_reduction <add>, %reduce_sum3A_638, %reduce_sum3A_639 [1, 2] : vector<1x16x4096xf32> to vector<1xf32>
    %reduce_sum3A_641 = vector.shape_cast %reduce_sum3A_640 : vector<1xf32> to vector<1x1x1xf32>
    %reduce_sum3A_642 = vector.extract %reduce_sum3A_641[0, 0, 0] : f32 from vector<1x1x1xf32>
    %sub3A_643 = arith.subf %sub3A_589, %reduce_sum3A_642 : f32
    %get3A_644 = arith.constant 12 : index
    %get3A_645 = arith.constant 0 : index
    %get3A_646 = arith.constant 0 : index
    %get3A_647 = vector.load %arg1[%get3A_644, %get3A_645, %get3A_646] : memref<16x16x4096xf32, #tpu.memory_space<vmem>>, vector<1x16x4096xf32>
    %get3A_648 = vector.shape_cast %get3A_647 : vector<1x16x4096xf32> to vector<16x4096xf32>
    %get3A_649 = arith.constant 12 : index
    %get3A_650 = arith.constant 0 : index
    %get3A_651 = arith.constant 0 : index
    %get3A_652 = vector.load %arg2[%get3A_649, %get3A_650, %get3A_651] : memref<16x16x4096xf32, #tpu.memory_space<vmem>>, vector<1x16x4096xf32>
    %get3A_653 = vector.shape_cast %get3A_652 : vector<1x16x4096xf32> to vector<16x4096xf32>
    %log3A_654 = math.log %get3A_648 : vector<16x4096xf32>
    %max3A_655 = arith.constant -1.000000e+02 : f32
    %max3A_656 = vector.broadcast %max3A_655 : f32 to vector<16x4096xf32>
    %max3A_657 = arith.maximumf %log3A_654, %max3A_656 : vector<16x4096xf32>
    %sub3A_658 = arith.constant 1.000000e+00 : f32
    %sub3A_659 = vector.broadcast %sub3A_658 : f32 to vector<16x4096xf32>
    %sub3A_660 = arith.subf %sub3A_659, %get3A_648 : vector<16x4096xf32>
    %log3A_661 = math.log %sub3A_660 : vector<16x4096xf32>
    %max3A_662 = arith.constant -1.000000e+02 : f32
    %max3A_663 = vector.broadcast %max3A_662 : f32 to vector<16x4096xf32>
    %max3A_664 = arith.maximumf %log3A_661, %max3A_663 : vector<16x4096xf32>
    %sub3A_665 = arith.subf %max3A_657, %max3A_664 : vector<16x4096xf32>
    %dot_general3A_666 = arith.constant dense<0.000000e+00> : vector<16x16xf32>
    %dot_general3A_667 = tpu.matmul %get3A_653, %sub3A_665, %dot_general3A_666 {dimension_numbers = #tpu.dot_dimension_numbers<[1], [1], [0], [0], [0, 0, 1, 0], [], []>, transpose_lhs_hint = false} : vector<16x4096xf32>, vector<16x4096xf32>, vector<16x16xf32> -> vector<16x16xf32>
    %swap3A_668 = arith.constant 192 : index
    %swap3A_669 = arith.constant 0 : index
    %swap3A_670 = vector.load %arg3[%swap3A_668, %swap3A_669] : memref<256x16xf32, #tpu.memory_space<vmem>>, vector<16x16xf32>
    tpu.vector_store %arg3[%swap3A_668, %swap3A_669], %dot_general3A_667 {strides = array<i32>} : memref<256x16xf32, #tpu.memory_space<vmem>>, vector<16x16xf32>,
    %gt3A_671 = arith.constant 0.000000e+00 : f32
    %gt3A_672 = vector.broadcast %gt3A_671 : f32 to vector<16x4096xf32>
    %gt3A_673 = arith.cmpf ogt, %get3A_653, %gt3A_672 : vector<16x4096xf32>
    %jit3A_674 = arith.constant 6.553600e+04 : f32
    %broadcast_in_dim3A_675 = vector.broadcast %jit3A_674 : f32 to vector<16x4096xf32>
    %select_n3A_676 = arith.select %gt3A_673, %convert_element_type3A_2, %broadcast_in_dim3A_675 : vector<16x4096xi1>, vector<16x4096xf32>
    %reduce_min3A_677 = arith.constant dense<0x7F800000> : vector<16xf32>
    %reduce_min3A_678 = vector.multi_reduction <minimumf>, %select_n3A_676, %reduce_min3A_677 [1] : vector<16x4096xf32> to vector<16xf32>
    %broadcast_in_dim3A_679 = vector.shape_cast %reduce_min3A_678 : vector<16xf32> to vector<16x1xf32>
    %mul3A_680 = arith.constant 1.600000e+01 : f32
    %mul3A_681 = vector.broadcast %mul3A_680 : f32 to vector<16x1xf32>
    %mul3A_682 = arith.mulf %broadcast_in_dim3A_679, %mul3A_681 : vector<16x1xf32>
    %add3A_683 = arith.addf %mul3A_682, %convert_element_type3A_4 : vector<16x1xf32>
    %broadcast_in_dim3A_684 = vector.shape_cast %add3A_683 : vector<16x1xf32> to vector<16x1xf32>
    %broadcast_in_dim3A_685 = vector.broadcast %broadcast_in_dim3A_684 : vector<16x1xf32> to vector<16x16xf32>
    %dot_general3A_686 = arith.constant dense<0.000000e+00> : vector<16x16xf32>
    %dot_general3A_687 = tpu.matmul %broadcast_in_dim3A_685, %convert_element_type3A_9, %dot_general3A_686 {dimension_numbers = #tpu.dot_dimension_numbers<[0], [0], [1], [1], [0, 1, 1, 1], [], []>, transpose_lhs_hint = false} : vector<16x16xf32>, vector<16x16xf32>, vector<16x16xf32> -> vector<16x16xf32>
    %slice3A_688 = vector.extract_strided_slice %dot_general3A_687 {offsets = [0, 0], sizes = [1, 16], strides = [1, 1]} : vector<16x16xf32> to vector<1x16xf32>
    %swap3A_689 = arith.constant 12 : index
    %swap3A_690 = arith.constant 0 : index
    %swap3A_691 = vector.load %arg4[%swap3A_689, %swap3A_690] : memref<16x16xf32, #tpu.memory_space<vmem>>, vector<1x16xf32>
    tpu.vector_store %arg4[%swap3A_689, %swap3A_690], %slice3A_688 {strides = array<i32>} : memref<16x16xf32, #tpu.memory_space<vmem>>, vector<1x16xf32>,
    %reduce_sum3A_692 = vector.shape_cast %max3A_664 : vector<16x4096xf32> to vector<1x16x4096xf32>
    %reduce_sum3A_693 = arith.constant dense<0.000000e+00> : vector<1xf32>
    %reduce_sum3A_694 = vector.multi_reduction <add>, %reduce_sum3A_692, %reduce_sum3A_693 [1, 2] : vector<1x16x4096xf32> to vector<1xf32>
    %reduce_sum3A_695 = vector.shape_cast %reduce_sum3A_694 : vector<1xf32> to vector<1x1x1xf32>
    %reduce_sum3A_696 = vector.extract %reduce_sum3A_695[0, 0, 0] : f32 from vector<1x1x1xf32>
    %sub3A_697 = arith.subf %sub3A_643, %reduce_sum3A_696 : f32
    %get3A_698 = arith.constant 13 : index
    %get3A_699 = arith.constant 0 : index
    %get3A_700 = arith.constant 0 : index
    %get3A_701 = vector.load %arg1[%get3A_698, %get3A_699, %get3A_700] : memref<16x16x4096xf32, #tpu.memory_space<vmem>>, vector<1x16x4096xf32>
    %get3A_702 = vector.shape_cast %get3A_701 : vector<1x16x4096xf32> to vector<16x4096xf32>
    %get3A_703 = arith.constant 13 : index
    %get3A_704 = arith.constant 0 : index
    %get3A_705 = arith.constant 0 : index
    %get3A_706 = vector.load %arg2[%get3A_703, %get3A_704, %get3A_705] : memref<16x16x4096xf32, #tpu.memory_space<vmem>>, vector<1x16x4096xf32>
    %get3A_707 = vector.shape_cast %get3A_706 : vector<1x16x4096xf32> to vector<16x4096xf32>
    %log3A_708 = math.log %get3A_702 : vector<16x4096xf32>
    %max3A_709 = arith.constant -1.000000e+02 : f32
    %max3A_710 = vector.broadcast %max3A_709 : f32 to vector<16x4096xf32>
    %max3A_711 = arith.maximumf %log3A_708, %max3A_710 : vector<16x4096xf32>
    %sub3A_712 = arith.constant 1.000000e+00 : f32
    %sub3A_713 = vector.broadcast %sub3A_712 : f32 to vector<16x4096xf32>
    %sub3A_714 = arith.subf %sub3A_713, %get3A_702 : vector<16x4096xf32>
    %log3A_715 = math.log %sub3A_714 : vector<16x4096xf32>
    %max3A_716 = arith.constant -1.000000e+02 : f32
    %max3A_717 = vector.broadcast %max3A_716 : f32 to vector<16x4096xf32>
    %max3A_718 = arith.maximumf %log3A_715, %max3A_717 : vector<16x4096xf32>
    %sub3A_719 = arith.subf %max3A_711, %max3A_718 : vector<16x4096xf32>
    %dot_general3A_720 = arith.constant dense<0.000000e+00> : vector<16x16xf32>
    %dot_general3A_721 = tpu.matmul %get3A_707, %sub3A_719, %dot_general3A_720 {dimension_numbers = #tpu.dot_dimension_numbers<[1], [1], [0], [0], [0, 0, 1, 0], [], []>, transpose_lhs_hint = false} : vector<16x4096xf32>, vector<16x4096xf32>, vector<16x16xf32> -> vector<16x16xf32>
    %swap3A_722 = arith.constant 208 : index
    %swap3A_723 = arith.constant 0 : index
    %swap3A_724 = vector.load %arg3[%swap3A_722, %swap3A_723] : memref<256x16xf32, #tpu.memory_space<vmem>>, vector<16x16xf32>
    tpu.vector_store %arg3[%swap3A_722, %swap3A_723], %dot_general3A_721 {strides = array<i32>} : memref<256x16xf32, #tpu.memory_space<vmem>>, vector<16x16xf32>,
    %gt3A_725 = arith.constant 0.000000e+00 : f32
    %gt3A_726 = vector.broadcast %gt3A_725 : f32 to vector<16x4096xf32>
    %gt3A_727 = arith.cmpf ogt, %get3A_707, %gt3A_726 : vector<16x4096xf32>
    %jit3A_728 = arith.constant 6.553600e+04 : f32
    %broadcast_in_dim3A_729 = vector.broadcast %jit3A_728 : f32 to vector<16x4096xf32>
    %select_n3A_730 = arith.select %gt3A_727, %convert_element_type3A_2, %broadcast_in_dim3A_729 : vector<16x4096xi1>, vector<16x4096xf32>
    %reduce_min3A_731 = arith.constant dense<0x7F800000> : vector<16xf32>
    %reduce_min3A_732 = vector.multi_reduction <minimumf>, %select_n3A_730, %reduce_min3A_731 [1] : vector<16x4096xf32> to vector<16xf32>
    %broadcast_in_dim3A_733 = vector.shape_cast %reduce_min3A_732 : vector<16xf32> to vector<16x1xf32>
    %mul3A_734 = arith.constant 1.600000e+01 : f32
    %mul3A_735 = vector.broadcast %mul3A_734 : f32 to vector<16x1xf32>
    %mul3A_736 = arith.mulf %broadcast_in_dim3A_733, %mul3A_735 : vector<16x1xf32>
    %add3A_737 = arith.addf %mul3A_736, %convert_element_type3A_4 : vector<16x1xf32>
    %broadcast_in_dim3A_738 = vector.shape_cast %add3A_737 : vector<16x1xf32> to vector<16x1xf32>
    %broadcast_in_dim3A_739 = vector.broadcast %broadcast_in_dim3A_738 : vector<16x1xf32> to vector<16x16xf32>
    %dot_general3A_740 = arith.constant dense<0.000000e+00> : vector<16x16xf32>
    %dot_general3A_741 = tpu.matmul %broadcast_in_dim3A_739, %convert_element_type3A_9, %dot_general3A_740 {dimension_numbers = #tpu.dot_dimension_numbers<[0], [0], [1], [1], [0, 1, 1, 1], [], []>, transpose_lhs_hint = false} : vector<16x16xf32>, vector<16x16xf32>, vector<16x16xf32> -> vector<16x16xf32>
    %slice3A_742 = vector.extract_strided_slice %dot_general3A_741 {offsets = [0, 0], sizes = [1, 16], strides = [1, 1]} : vector<16x16xf32> to vector<1x16xf32>
    %swap3A_743 = arith.constant 13 : index
    %swap3A_744 = arith.constant 0 : index
    %swap3A_745 = vector.load %arg4[%swap3A_743, %swap3A_744] : memref<16x16xf32, #tpu.memory_space<vmem>>, vector<1x16xf32>
    tpu.vector_store %arg4[%swap3A_743, %swap3A_744], %slice3A_742 {strides = array<i32>} : memref<16x16xf32, #tpu.memory_space<vmem>>, vector<1x16xf32>,
    %reduce_sum3A_746 = vector.shape_cast %max3A_718 : vector<16x4096xf32> to vector<1x16x4096xf32>
    %reduce_sum3A_747 = arith.constant dense<0.000000e+00> : vector<1xf32>
    %reduce_sum3A_748 = vector.multi_reduction <add>, %reduce_sum3A_746, %reduce_sum3A_747 [1, 2] : vector<1x16x4096xf32> to vector<1xf32>
    %reduce_sum3A_749 = vector.shape_cast %reduce_sum3A_748 : vector<1xf32> to vector<1x1x1xf32>
    %reduce_sum3A_750 = vector.extract %reduce_sum3A_749[0, 0, 0] : f32 from vector<1x1x1xf32>
    %sub3A_751 = arith.subf %sub3A_697, %reduce_sum3A_750 : f32
    %get3A_752 = arith.constant 14 : index
    %get3A_753 = arith.constant 0 : index
    %get3A_754 = arith.constant 0 : index
    %get3A_755 = vector.load %arg1[%get3A_752, %get3A_753, %get3A_754] : memref<16x16x4096xf32, #tpu.memory_space<vmem>>, vector<1x16x4096xf32>
    %get3A_756 = vector.shape_cast %get3A_755 : vector<1x16x4096xf32> to vector<16x4096xf32>
    %get3A_757 = arith.constant 14 : index
    %get3A_758 = arith.constant 0 : index
    %get3A_759 = arith.constant 0 : index
    %get3A_760 = vector.load %arg2[%get3A_757, %get3A_758, %get3A_759] : memref<16x16x4096xf32, #tpu.memory_space<vmem>>, vector<1x16x4096xf32>
    %get3A_761 = vector.shape_cast %get3A_760 : vector<1x16x4096xf32> to vector<16x4096xf32>
    %log3A_762 = math.log %get3A_756 : vector<16x4096xf32>
    %max3A_763 = arith.constant -1.000000e+02 : f32
    %max3A_764 = vector.broadcast %max3A_763 : f32 to vector<16x4096xf32>
    %max3A_765 = arith.maximumf %log3A_762, %max3A_764 : vector<16x4096xf32>
    %sub3A_766 = arith.constant 1.000000e+00 : f32
    %sub3A_767 = vector.broadcast %sub3A_766 : f32 to vector<16x4096xf32>
    %sub3A_768 = arith.subf %sub3A_767, %get3A_756 : vector<16x4096xf32>
    %log3A_769 = math.log %sub3A_768 : vector<16x4096xf32>
    %max3A_770 = arith.constant -1.000000e+02 : f32
    %max3A_771 = vector.broadcast %max3A_770 : f32 to vector<16x4096xf32>
    %max3A_772 = arith.maximumf %log3A_769, %max3A_771 : vector<16x4096xf32>
    %sub3A_773 = arith.subf %max3A_765, %max3A_772 : vector<16x4096xf32>
    %dot_general3A_774 = arith.constant dense<0.000000e+00> : vector<16x16xf32>
    %dot_general3A_775 = tpu.matmul %get3A_761, %sub3A_773, %dot_general3A_774 {dimension_numbers = #tpu.dot_dimension_numbers<[1], [1], [0], [0], [0, 0, 1, 0], [], []>, transpose_lhs_hint = false} : vector<16x4096xf32>, vector<16x4096xf32>, vector<16x16xf32> -> vector<16x16xf32>
    %swap3A_776 = arith.constant 224 : index
    %swap3A_777 = arith.constant 0 : index
    %swap3A_778 = vector.load %arg3[%swap3A_776, %swap3A_777] : memref<256x16xf32, #tpu.memory_space<vmem>>, vector<16x16xf32>
    tpu.vector_store %arg3[%swap3A_776, %swap3A_777], %dot_general3A_775 {strides = array<i32>} : memref<256x16xf32, #tpu.memory_space<vmem>>, vector<16x16xf32>,
    %gt3A_779 = arith.constant 0.000000e+00 : f32
    %gt3A_780 = vector.broadcast %gt3A_779 : f32 to vector<16x4096xf32>
    %gt3A_781 = arith.cmpf ogt, %get3A_761, %gt3A_780 : vector<16x4096xf32>
    %jit3A_782 = arith.constant 6.553600e+04 : f32
    %broadcast_in_dim3A_783 = vector.broadcast %jit3A_782 : f32 to vector<16x4096xf32>
    %select_n3A_784 = arith.select %gt3A_781, %convert_element_type3A_2, %broadcast_in_dim3A_783 : vector<16x4096xi1>, vector<16x4096xf32>
    %reduce_min3A_785 = arith.constant dense<0x7F800000> : vector<16xf32>
    %reduce_min3A_786 = vector.multi_reduction <minimumf>, %select_n3A_784, %reduce_min3A_785 [1] : vector<16x4096xf32> to vector<16xf32>
    %broadcast_in_dim3A_787 = vector.shape_cast %reduce_min3A_786 : vector<16xf32> to vector<16x1xf32>
    %mul3A_788 = arith.constant 1.600000e+01 : f32
    %mul3A_789 = vector.broadcast %mul3A_788 : f32 to vector<16x1xf32>
    %mul3A_790 = arith.mulf %broadcast_in_dim3A_787, %mul3A_789 : vector<16x1xf32>
    %add3A_791 = arith.addf %mul3A_790, %convert_element_type3A_4 : vector<16x1xf32>
    %broadcast_in_dim3A_792 = vector.shape_cast %add3A_791 : vector<16x1xf32> to vector<16x1xf32>
    %broadcast_in_dim3A_793 = vector.broadcast %broadcast_in_dim3A_792 : vector<16x1xf32> to vector<16x16xf32>
    %dot_general3A_794 = arith.constant dense<0.000000e+00> : vector<16x16xf32>
    %dot_general3A_795 = tpu.matmul %broadcast_in_dim3A_793, %convert_element_type3A_9, %dot_general3A_794 {dimension_numbers = #tpu.dot_dimension_numbers<[0], [0], [1], [1], [0, 1, 1, 1], [], []>, transpose_lhs_hint = false} : vector<16x16xf32>, vector<16x16xf32>, vector<16x16xf32> -> vector<16x16xf32>
    %slice3A_796 = vector.extract_strided_slice %dot_general3A_795 {offsets = [0, 0], sizes = [1, 16], strides = [1, 1]} : vector<16x16xf32> to vector<1x16xf32>
    %swap3A_797 = arith.constant 14 : index
    %swap3A_798 = arith.constant 0 : index
    %swap3A_799 = vector.load %arg4[%swap3A_797, %swap3A_798] : memref<16x16xf32, #tpu.memory_space<vmem>>, vector<1x16xf32>
    tpu.vector_store %arg4[%swap3A_797, %swap3A_798], %slice3A_796 {strides = array<i32>} : memref<16x16xf32, #tpu.memory_space<vmem>>, vector<1x16xf32>,
    %reduce_sum3A_800 = vector.shape_cast %max3A_772 : vector<16x4096xf32> to vector<1x16x4096xf32>
    %reduce_sum3A_801 = arith.constant dense<0.000000e+00> : vector<1xf32>
    %reduce_sum3A_802 = vector.multi_reduction <add>, %reduce_sum3A_800, %reduce_sum3A_801 [1, 2] : vector<1x16x4096xf32> to vector<1xf32>
    %reduce_sum3A_803 = vector.shape_cast %reduce_sum3A_802 : vector<1xf32> to vector<1x1x1xf32>
    %reduce_sum3A_804 = vector.extract %reduce_sum3A_803[0, 0, 0] : f32 from vector<1x1x1xf32>
    %sub3A_805 = arith.subf %sub3A_751, %reduce_sum3A_804 : f32
    %get3A_806 = arith.constant 15 : index
    %get3A_807 = arith.constant 0 : index
    %get3A_808 = arith.constant 0 : index
    %get3A_809 = vector.load %arg1[%get3A_806, %get3A_807, %get3A_808] : memref<16x16x4096xf32, #tpu.memory_space<vmem>>, vector<1x16x4096xf32>
    %get3A_810 = vector.shape_cast %get3A_809 : vector<1x16x4096xf32> to vector<16x4096xf32>
    %get3A_811 = arith.constant 15 : index
    %get3A_812 = arith.constant 0 : index
    %get3A_813 = arith.constant 0 : index
    %get3A_814 = vector.load %arg2[%get3A_811, %get3A_812, %get3A_813] : memref<16x16x4096xf32, #tpu.memory_space<vmem>>, vector<1x16x4096xf32>
    %get3A_815 = vector.shape_cast %get3A_814 : vector<1x16x4096xf32> to vector<16x4096xf32>
    %log3A_816 = math.log %get3A_810 : vector<16x4096xf32>
    %max3A_817 = arith.constant -1.000000e+02 : f32
    %max3A_818 = vector.broadcast %max3A_817 : f32 to vector<16x4096xf32>
    %max3A_819 = arith.maximumf %log3A_816, %max3A_818 : vector<16x4096xf32>
    %sub3A_820 = arith.constant 1.000000e+00 : f32
    %sub3A_821 = vector.broadcast %sub3A_820 : f32 to vector<16x4096xf32>
    %sub3A_822 = arith.subf %sub3A_821, %get3A_810 : vector<16x4096xf32>
    %log3A_823 = math.log %sub3A_822 : vector<16x4096xf32>
    %max3A_824 = arith.constant -1.000000e+02 : f32
    %max3A_825 = vector.broadcast %max3A_824 : f32 to vector<16x4096xf32>
    %max3A_826 = arith.maximumf %log3A_823, %max3A_825 : vector<16x4096xf32>
    %sub3A_827 = arith.subf %max3A_819, %max3A_826 : vector<16x4096xf32>
    %dot_general3A_828 = arith.constant dense<0.000000e+00> : vector<16x16xf32>
    %dot_general3A_829 = tpu.matmul %get3A_815, %sub3A_827, %dot_general3A_828 {dimension_numbers = #tpu.dot_dimension_numbers<[1], [1], [0], [0], [0, 0, 1, 0], [], []>, transpose_lhs_hint = false} : vector<16x4096xf32>, vector<16x4096xf32>, vector<16x16xf32> -> vector<16x16xf32>
    %swap3A_830 = arith.constant 240 : index
    %swap3A_831 = arith.constant 0 : index
    %swap3A_832 = vector.load %arg3[%swap3A_830, %swap3A_831] : memref<256x16xf32, #tpu.memory_space<vmem>>, vector<16x16xf32>
    tpu.vector_store %arg3[%swap3A_830, %swap3A_831], %dot_general3A_829 {strides = array<i32>} : memref<256x16xf32, #tpu.memory_space<vmem>>, vector<16x16xf32>,
    %gt3A_833 = arith.constant 0.000000e+00 : f32
    %gt3A_834 = vector.broadcast %gt3A_833 : f32 to vector<16x4096xf32>
    %gt3A_835 = arith.cmpf ogt, %get3A_815, %gt3A_834 : vector<16x4096xf32>
    %jit3A_836 = arith.constant 6.553600e+04 : f32
    %broadcast_in_dim3A_837 = vector.broadcast %jit3A_836 : f32 to vector<16x4096xf32>
    %select_n3A_838 = arith.select %gt3A_835, %convert_element_type3A_2, %broadcast_in_dim3A_837 : vector<16x4096xi1>, vector<16x4096xf32>
    %reduce_min3A_839 = arith.constant dense<0x7F800000> : vector<16xf32>
    %reduce_min3A_840 = vector.multi_reduction <minimumf>, %select_n3A_838, %reduce_min3A_839 [1] : vector<16x4096xf32> to vector<16xf32>
    %broadcast_in_dim3A_841 = vector.shape_cast %reduce_min3A_840 : vector<16xf32> to vector<16x1xf32>
    %mul3A_842 = arith.constant 1.600000e+01 : f32
    %mul3A_843 = vector.broadcast %mul3A_842 : f32 to vector<16x1xf32>
    %mul3A_844 = arith.mulf %broadcast_in_dim3A_841, %mul3A_843 : vector<16x1xf32>
    %add3A_845 = arith.addf %mul3A_844, %convert_element_type3A_4 : vector<16x1xf32>
    %broadcast_in_dim3A_846 = vector.shape_cast %add3A_845 : vector<16x1xf32> to vector<16x1xf32>
    %broadcast_in_dim3A_847 = vector.broadcast %broadcast_in_dim3A_846 : vector<16x1xf32> to vector<16x16xf32>
    %dot_general3A_848 = arith.constant dense<0.000000e+00> : vector<16x16xf32>
    %dot_general3A_849 = tpu.matmul %broadcast_in_dim3A_847, %convert_element_type3A_9, %dot_general3A_848 {dimension_numbers = #tpu.dot_dimension_numbers<[0], [0], [1], [1], [0, 1, 1, 1], [], []>, transpose_lhs_hint = false} : vector<16x16xf32>, vector<16x16xf32>, vector<16x16xf32> -> vector<16x16xf32>
    %slice3A_850 = vector.extract_strided_slice %dot_general3A_849 {offsets = [0, 0], sizes = [1, 16], strides = [1, 1]} : vector<16x16xf32> to vector<1x16xf32>
    %swap3A_851 = arith.constant 15 : index
    %swap3A_852 = arith.constant 0 : index
    %swap3A_853 = vector.load %arg4[%swap3A_851, %swap3A_852] : memref<16x16xf32, #tpu.memory_space<vmem>>, vector<1x16xf32>
    tpu.vector_store %arg4[%swap3A_851, %swap3A_852], %slice3A_850 {strides = array<i32>} : memref<16x16xf32, #tpu.memory_space<vmem>>, vector<1x16xf32>,
    %reduce_sum3A_854 = vector.shape_cast %max3A_826 : vector<16x4096xf32> to vector<1x16x4096xf32>
    %reduce_sum3A_855 = arith.constant dense<0.000000e+00> : vector<1xf32>
    %reduce_sum3A_856 = vector.multi_reduction <add>, %reduce_sum3A_854, %reduce_sum3A_855 [1, 2] : vector<1x16x4096xf32> to vector<1xf32>
    %reduce_sum3A_857 = vector.shape_cast %reduce_sum3A_856 : vector<1xf32> to vector<1x1x1xf32>
    %reduce_sum3A_858 = vector.extract %reduce_sum3A_857[0, 0, 0] : f32 from vector<1x1x1xf32>
    %sub3A_859 = arith.subf %sub3A_805, %reduce_sum3A_858 : f32
    %get3A_860 = arith.constant 0 : index
    %get3A_861 = arith.constant 0 : index
    %get3A_862 = memref.load %arg6[%get3A_860, %get3A_861] : memref<1x1xf32, #tpu.memory_space<smem>>
    %add3A_863 = arith.addf %get3A_862, %sub3A_859 : f32
    %swap3A_864 = arith.constant 0 : index
    %swap3A_865 = arith.constant 0 : index
    %swap3A_866 = memref.load %arg6[%swap3A_864, %swap3A_865] : memref<1x1xf32, #tpu.memory_space<smem>>
    memref.store %add3A_863, %arg6[%swap3A_864, %swap3A_865] : memref<1x1xf32, #tpu.memory_space<smem>>
    %eq3A_867 = arith.constant 3 : i32
    %eq3A_868 = arith.cmpi eq, %arg0, %eq3A_867 : i32
    %convert_element_type3A_869 = arith.extui %eq3A_868 : i1 to i32
    %cond3A_870 = arith.constant 0 : i32
    %cond3A_871 = arith.cmpi ne, %convert_element_type3A_869, %cond3A_870 : i32
    scf.if %cond3A_871 {
      %get3A_872 = arith.constant 0 : index
      %get3A_873 = arith.constant 0 : index
      %get3A_874 = memref.load %arg6[%get3A_872, %get3A_873] : memref<1x1xf32, #tpu.memory_space<smem>>
      %reshape3A = vector.broadcast %get3A_874 : f32 to vector<1x1xf32>
      %broadcast_in_dim3A_875 = vector.shape_cast %reshape3A : vector<1x1xf32> to vector<1x1xf32>
      %broadcast_in_dim3A_876 = vector.broadcast %broadcast_in_dim3A_875 : vector<1x1xf32> to vector<1x16xf32>
      %swap3A_877 = arith.constant 0 : index
      %swap3A_878 = arith.constant 0 : index
      %swap3A_879 = vector.load %arg5[%swap3A_877, %swap3A_878] : memref<1x16xf32, #tpu.memory_space<vmem>>, vector<1x16xf32>
      tpu.vector_store %arg5[%swap3A_877, %swap3A_878], %broadcast_in_dim3A_876 {strides = array<i32>} : memref<1x16xf32, #tpu.memory_space<vmem>>, vector<1x16xf32>,
    } else {
    }
    return
  }
  func.func @transform_0(%arg0: i32) -> (i32, i32, i32) {
    %c0_i32 = arith.constant 0 : i32
    %c0_i32_0 = arith.constant 0 : i32
    %c0_i32_1 = arith.constant 0 : i32
    return %arg0, %c0_i32, %c0_i32_0 : i32, i32, i32
  }
  func.func @transform_1(%arg0: i32) -> (i32, i32, i32) {
    %c0_i32 = arith.constant 0 : i32
    %c0_i32_0 = arith.constant 0 : i32
    %c0_i32_1 = arith.constant 0 : i32
    return %arg0, %c0_i32, %c0_i32_0 : i32, i32, i32
  }
  func.func @transform_2(%arg0: i32) -> (i32, i32) {
    %c0_i32 = arith.constant 0 : i32
    %c0_i32_0 = arith.constant 0 : i32
    return %arg0, %c0_i32 : i32, i32
  }
  func.func @transform_3(%arg0: i32) -> (i32, i32) {
    %c0_i32 = arith.constant 0 : i32
    %c0_i32_0 = arith.constant 0 : i32
    return %arg0, %c0_i32 : i32, i32
  }
  func.func @transform_4(%arg0: i32) -> (i32, i32) {
    %c0_i32 = arith.constant 0 : i32
    %c0_i32_0 = arith.constant 0 : i32
    %c0_i32_1 = arith.constant 0 : i32
    return %c0_i32, %c0_i32_0 : i32, i32
  }
}

</mosaic_0001>

<sc_bundles>
// kernel: kernel.4.cloned.1.call-start
scs
__scs_entry_jumppad:
0x0: {  	(pc) =	sbr.rel $0x88, $3  }
0x1: {  	(tag) =	ssettag $0x0;
	lr =	simm.s32 $0x1  }
0x2: {  	[smem:$0x3F9F] =	sst lr;
	_ =	strace $0xD0000000  }
0x3: {  	_ = 	snop  }
0x4: {  	_ = 	snop  }
0x5: {  	_ = 	snop  }
0x6: {  	_ = 	snop  }
0x7: {  	_ = 	snop  }
__scs_overlays_trampoline_lowered:
0x8: {  	[smem:$0x3FAE] =	sst s0  }
0x9: {  	[smem:$0x3FAF] =	sst s1  }
0xa: {  	[smem:$0x3FB0] =	sst s2  }
0xb: {  	[smem:$0x3FB1] =	sst s3  }
0xc: {  	[smem:$0x3FB2] =	sst s4  }
0xd: {  	[smem:$0x3FB3] =	sst s5  }
0xe: {  	[smem:$0x3FB4] =	sst s6  }
0xf: {  	[smem:$0x3FB5] =	sst s7  }
0x10: {  	[smem:$0x3FB6] =	sst s8  }
0x11: {  	[smem:$0x3FB7] =	sst s9;
	s0 =	simm.s32 @!p0 $0x0  }
0x12: {  	s1 =	sld [smem:$0x3F9D];
	s0 =	simm.s32 @p0 $0x1  }
0x13: {  	[smem:$0x3FB8] =	sst s0;
	s0 =	simm.s32 @!p1 $0x0  }
0x14: {  	s2 =	sld [smem:$0x3F9C];
	s0 =	simm.s32 @p1 $0x1  }
0x15: {  	[smem:$0x3FB9] =	sst s0;
	s0 =	simm.s32 @!p2 $0x0  }
0x16: {  	s3 =	sld [smem:$0x3FDB];
	s0 =	simm.s32 @p2 $0x1  }
0x17: {  	s4 =	simm.s32 $0x1BF5;
	[smem:$0x3FBB] =	sst s0  }
0x18: {  	s0 =	sld [smem:$0x3F9E];
	_ =	swait.ge [sflag:s4], $0x0  }
0x19: {  	s7 =	sld [smem:$0x3F9F]  }
0x1a: {  	s8 =	sadd.s32 $0xFFFFE003, lr  }
0x1b: {  	s9 =	sadd.s32 $0xFFFFFEF7, lr;
	s5 =	simm.s32 $0xFFFFFFFF;
	p2 =	slt.u32 s8, $0xFFFFF086  }
0x1c: {  	p1 =	slt.u32 s9, $0xF7A;
	s5 =	simm.s32 @!p2 $0x0  }
0x1d: {  	s5 =	simm.s32 @p1 $0x1;
	p0 =	seq.s32 s7, s2  }
0x1e: {  	s7 =	smul.u32 @!p0 $0xF7A, s2;
	p2 =	seq.s32 @!p0 s5, $0x0  }
0x1f: {  	s9 =	smul.u32 $0xF7A, s1;
	s8 =	simm.s32 @!p0 $0x1BF5;
	p2 =	por !p2, p0  }
0x20: {  	[sflag:s8] =	ssyncset.s32 @!p0 $0xFFFFF086;
	s6 =	sadd.s32 @!p0 s3, s7;
	s7 =	simm.s32 @!p0 $0x108  }
0x21: {  	s3 =	sadd.s32 s3, s9;
	s6 =	sadd.s32 @!p0 $0x88, s6;
	s7 =	simm.s32 @p2 $0x1082  }
0x22: {  	[simem:s7], [sflag:s8] =	dma.local @!p0 [hbm:s6], $0xF7A  }
0x23: {  	s9 =	sor.u32 $0xD0000000, s2;
	s6 =	simm.s32 $0x108;
	_ =	swait.ge @!p0 [sflag:s8], $0x0  }
0x24: {  	s3 =	sadd.s32 $0x88, s3;
	s6 =	simm.s32 @!p1 $0x1082;
	[sflag:s4] =	ssyncset.s32 $0xFFFFF086  }
0x25: {  	[simem:s6], [sflag:s4] =	dma.local [hbm:s3], $0xF7A  }
0x26: {  	[smem:$0x3F9F] =	sst s1;
	(tag) =	ssettag s2;
	_ =	strace s9  }
0x27: {  	s1 =	sld [smem:$0x3FAF]  }
0x28: {  	s2 =	sld [smem:$0x3FB0]  }
0x29: {  	s4 =	sld [smem:$0x3FB2]  }
0x2a: {  	p0 =	seq.s32 s5, $0x0;
	s5 =	sld [smem:$0x3FB3]  }
0x2b: {  	s6 =	sld [smem:$0x3FB4]  }
0x2c: {  	s7 =	sld [smem:$0x3FB5]  }
0x2d: {  	s3 =	simm.s32 $0x108;
	s8 =	sld [smem:$0x3FB6]  }
0x2e: {  	s3 =	simm.s32 @!p0 $0x1082;
	s9 =	sld [smem:$0x3FB7]  }
0x2f: {  	lr =	sadd.s32 s0, s3;
	s0 =	sld [smem:$0x3FAE]  }
0x30: {  	s3 =	sld [smem:$0x3FB1]  }
0x31: {  	[smem:$0x3FBA] =	sst s10  }
0x32: {  	s10 =	sld [smem:$0x3FB8];
	_ =	sdelay $0x3  }
0x33: {  	p0 =	seq.s32 s10, $0x1;
	s10 =	sld [smem:$0x3FBA];
	_ =	sdelay $0x3  }
0x34: {  	[smem:$0x3FBA] =	sst s10  }
0x35: {  	s10 =	sld [smem:$0x3FB9];
	_ =	sdelay $0x3  }
0x36: {  	p1 =	seq.s32 s10, $0x1;
	s10 =	sld [smem:$0x3FBA];
	_ =	sdelay $0x3  }
0x37: {  	[smem:$0x3FBA] =	sst s10  }
0x38: {  	s10 =	sld [smem:$0x3FBB]  }
0x39: {  	_ = 	snop;
	(pc) =	sbr.ind lr, $3  }
0x3a: {  	_ = 	snop  }
0x3b: {  	_ = 	snop  }
0x3c: {  	p2 =	seq.s32 s10, $0x1;
	s10 =	sld [smem:$0x3FBA]  }
0x3d: {  	_ =	shalt  }
0x3e: {  	_ =	shalt  }
0x3f: {  	_ =	shalt  }
0x40: {  	_ =	shalt  }
0x41: {  	_ =	shalt  }
0x42: {  	_ =	shalt  }
0x43: {  	_ =	shalt  }
0x44: {  	_ =	shalt  }
0x45: {  	_ =	shalt  }
0x46: {  	_ =	shalt  }
0x47: {  	_ =	shalt  }
0x48: {  	_ =	shalt  }
0x49: {  	_ =	shalt  }
0x4a: {  	_ =	shalt  }
0x4b: {  	_ =	shalt  }
0x4c: {  	_ =	shalt  }
0x4d: {  	_ =	shalt  }
0x4e: {  	_ =	shalt  }
0x4f: {  	_ =	shalt  }
0x50: {  	_ =	shalt  }
0x51: {  	_ =	shalt  }
0x52: {  	_ =	shalt  }
0x53: {  	_ =	shalt  }
0x54: {  	_ =	shalt  }
0x55: {  	_ =	shalt  }
0x56: {  	_ =	shalt  }
0x57: {  	_ =	shalt  }
0x58: {  	_ =	shalt  }
0x59: {  	_ =	shalt  }
0x5a: {  	_ =	shalt  }
0x5b: {  	_ =	shalt  }
0x5c: {  	_ =	shalt  }
0x5d: {  	_ =	shalt  }
0x5e: {  	_ =	shalt  }
0x5f: {  	_ =	shalt  }
0x60: {  	_ =	shalt  }
0x61: {  	_ =	shalt  }
0x62: {  	_ =	shalt  }
0x63: {  	_ =	shalt  }
0x64: {  	_ =	shalt  }
0x65: {  	_ =	shalt  }
0x66: {  	_ =	shalt  }
0x67: {  	_ =	shalt  }
0x68: {  	_ =	shalt  }
0x69: {  	_ =	shalt  }
0x6a: {  	_ =	shalt  }
0x6b: {  	_ =	shalt  }
0x6c: {  	_ =	shalt  }
0x6d: {  	_ =	shalt  }
0x6e: {  	_ =	shalt  }
0x6f: {  	_ =	shalt  }
0x70: {  	_ =	shalt  }
0x71: {  	_ =	shalt  }
0x72: {  	_ =	shalt  }
0x73: {  	_ =	shalt  }
0x74: {  	_ =	shalt  }
0x75: {  	_ =	shalt  }
0x76: {  	_ =	shalt  }
0x77: {  	_ =	shalt  }
0x78: {  	_ =	shalt  }
0x79: {  	_ =	shalt  }
0x7a: {  	_ =	shalt  }
0x7b: {  	_ =	shalt  }
0x7c: {  	_ =	shalt  }
0x7d: {  	_ =	shalt  }
0x7e: {  	_ =	shalt  }
0x7f: {  	_ =	shalt  }
0x80: {  	_ =	shalt  }
0x81: {  	_ =	shalt  }
0x82: {  	_ =	shalt  }
0x83: {  	_ =	shalt  }
0x84: {  	_ =	shalt  }
0x85: {  	_ =	shalt  }
0x86: {  	_ =	shalt  }
0x87: {  	_ =	shalt  }
.Lfunc_end0:
.L_simem_size_0:
called_computation_lowered:
.L_overlay_start_0:
0x88: {  	s2 =	sld [smem:$0x3FD9]  }
0x89: {  	s3 =	sld [smem:$0x3FFE];
	_ =	sdelay $0x1  }
0x8a: {  	s1 =	srdreg.scid  }
0x8b: {  	s0 =	sand.u32 $0x1, s1  }
0x8c: {  	s17 =	sshll.u32 s0, $0xA;
	s2 =	sadd.s32 s3, s2  }
0x8d: {  	s2 =	sadd.s32 s2, s17  }
0x8e: {  	[smem:$0x3FC6] =	sst s2  }
0x8f: {  	_ = 	snop  }
0x90: {  	s2 =	sld [smem:$0x3FD0];
	(tm) =	ssettm $0x1  }
0x91: {  	s18 =	sld [smem:$0x3FFB];
	_ =	sdelay $0x3  }
0x92: {  	_ =	strace s18  }
0x93: {  	s3 =	sld [smem:$0x3FFC];
	_ =	sdelay $0x3  }
0x94: {  	_ =	strace s3  }
0x95: {  	s3 =	sld [smem:$0x3FFD];
	_ =	sdelay $0x3  }
0x96: {  	_ =	strace s3  }
0x97: {  	_ =	strace $0x8FFFFFFF  }
0x98: {  	s19 =	sld [smem:$0x3FDB];
	_ =	sdelay $0x1  }
0x99: {  	s4 =	simm.s32 $_scs_section_size  }
0x9a: {  	s5 =	simm.s32 $_size__tile_overlayer_lowered;
	s6 =	simm.s32 $_tile_overlayer_lowered  }
0x9b: {  	s22 =	simm.s32 $0x1BFF;
	s21 =	sshll.u32 s6, $0x1;
	s3 =	sadd.s32 s4, s19  }
0x9c: {  	s7 =	simm.s32 $0x0;
	s20 =	sshll.u32 s5, $0x1;
	s5 =	sadd.s32 s21, s3  }
0x9d: {  	[timem:s7], [sflag:s22] =	dma.local [hbm:s5], s20  }
0x9e: {  	_ =	swait.ge [sflag:s22], s20  }
0x9f: {  	s4 =	ssub.s32 $0x0, s20;
	[sflag:s22] =	ssyncset.done $0x0  }
0xa0: {  	[sflag:s22] =	ssyncadd.s32 s4;
	_ =	sdelay $0x1  }
0xa1: {  	s23 =	simm.s32 $0x1B8B  }
0xa2: {  	_ =	swait.ge [sflag:s23], $0x1  }
0xa3: {  	[sflag:s23] =	ssyncset.done $0x0  }
0xa4: {  	s25 =	simm.s32 $0x1B8E;
	s24 =	sld [smem:$0x3FFE];
	[sflag:s23] =	ssyncadd.s32 $0xFFFFFFFF  }
0xa5: {  	s26 =	simm.s32 $execute0_lowered;
	[smem:$0x3FD2] =	sst s25  }
0xa6: {  	s5 =	sshll.u32 s26, $0x1;
	_ =	strace $0x80000046;
	[dreg:$0x1] =	wrdreg $0xFFFFFFFF  }
0xa7: {  	s28 =	simm.s32 $_size_execute0_lowered;
	s3 =	sadd.s32 s3, s5;
	[dreg:$0x0] =	wrdreg $0x0  }
0xa8: {  	s5 =	sshll.u32 s28, $0x1;
	[dreg:$0x2] =	wrdreg s3  }
0xa9: {  	[dreg:$0x3] =	wrdreg s5  }
0xaa: {  	[dreg:$0x4] =	wrdreg $0xC0  }
0xab: {  	_ =	task [dreg:s7], $0x5FFFF  }
0xac: {  	[dreg:$0x1] =	wrdreg $0xFFFFFFFF  }
0xad: {  	[dreg:$0x0] =	wrdreg $0x60  }
0xae: {  	[dreg:$0x2] =	wrdreg s24  }
0xaf: {  	[dreg:$0x3] =	wrdreg s2  }
0xb0: {  	[dreg:$0x4] =	wrdreg $0x23000  }
0xb1: {  	[dreg:$0x5] =	wrdreg $0x9  }
0xb2: {  	_ =	task.clear_ibuf [dreg:s7], $0x6FFFF;
	_ =	strace $0x90000046  }
0xb3: {  	s29 =	simm.s32 $0x9;
	_ =	strace $0x80000048  }
0xb4: {  	_ =	swait.ge [sflag:s29], $0x1  }
0xb5: {  	[sflag:s29] =	ssyncadd.s32 $0xFFFFFFFF  }
0xb6: {  	_ =	strace $0x90000048  }
0xb7: {  	_ =	sfence  }
0xb8: {  	s30 =	sld [smem:$0x0];
	_ =	sdelay $0x2  }
0xb9: {  	s31 =	sshll.u32 s1, $0xD;
	s1 =	sshrl.u32 s1, $0x2  }
0xba: {  	s3 =	sand.u32 $0x4000, s31;
	s1 =	sadd.s32 s1, s30  }
0xbb: {  	s0 =	sor.u32 s3, s0;
	s1 =	sshll.u32 s1, $0x11  }
0xbc: {  	s0 =	sor.u32 s1, s0  }
0xbd: {  	s0 =	sadd.s32 $0x8F2B, s0  }
0xbe: {  	[sflag:s0] =	ssyncadd.remote.s32 $0x1  }
0xbf: {  	_ =	sfence.sel $0xFFFF  }
0xc0: {  	[dreg:$0x0] =	wrdreg $0xFFFFFFFF;
	(pc) =	sbr.abs _section_cstart, $3  }
0xc1: {  	[dreg:$0x1] =	wrdreg $0xFFFFFFFF  }
0xc2: {  	_ =	task.clear_ibuf [dreg:s7], $0x2FFFF;
	_ =	strace $0x9FFFFFFF  }
0xc3: {  	(tm) =	ssettm $0x7FFFFFFF  }
tec
execute0_lowered:
.L_overlay_start_1:
0x0: {  	(tag) =	ssettag $0x1  }
0x1: {  	s2 =	srdreg.scid  }
0x2: {  	s2 =	sand.u32 $0x1, s2  }
0x3: {  	p1 =	seq.s32 s2, $0x1  }
.Ltmp0:
0x4: {  	s4 =	rddreg [dreg:$0x0];
	(pc) =	sbr.rel @p1 .LBB2_2-.Ltmp0, $4  }
0x5: {  	s1 =	rddreg [dreg:$0x1]  }
0x6: {  	s5 =	rddreg [dreg:$0x2];
	s6 =	simm.s32 $0x0  }
0x7: {  	s7 =	stileid.u32;
	[smem:$0x7FF] =	sst s6  }
0x8: {  	s0 =	rddreg [dreg:$0x3];
	p0 =	sne.s32 s7, $0x0;
	_ =	strace $0x80000047  }
0x9: {  	v0 =	vimm.f32 @!p0 $0.0e+00  }
0xa: {  	s3 =	simm.s32 @!p0 $0x2200;
	s2 =	simm.s32 @!p0 $0x1;
	[tilespmem:$0x2200] =	vst @!p0 v0  }
0xb: {  	[spmem:s5] =	stream.linear.scatter @!p0 [tilespmem:s3], [sflag:$0x1], $0x80, $0x38;
	[tilespmem:$0x2308] =	vst v63  }
0xc: {  	_ =	swait.ge @!p0 [sflag:s2], $0x80  }
0xd: {  	s8 =	sshll.u32 s7, $0x6;
	[sflag:s2] =	ssyncset.done @!p0 $0x0  }
0xe: {  	s8 =	sadd.s32 s8, s4;
	[sflag:s2] =	ssyncadd.s32 @!p0 $0xFFFFFF80  }
0xf: {  	s29 =	simm.s32 $0x1;
	s8 =	sadd.s32 $0x4E00, s8;
	[bflag:$0x0] =	sbarrier.arrive $0xFFFF  }
0x10: {  	[tilespmem:s6], [sflag:$0x1] =	stream.linear.gather [hbm4b:s8+s6], $0x200, $0x38;
	[tilespmem:$0x2308] =	vst v63  }
0x11: {  	s30 =	sshll.u32 s7, $0xA;
	_ =	swait.ge [sflag:s29], $0x200  }
0x12: {  	s7 =	sadd.s32 s30, s4;
	[sflag:s29] =	ssyncset.done $0x0  }
0x13: {  	s9 =	simm.s32 $0x200;
	s7 =	sadd.s32 $0xE00, s7;
	[sflag:s29] =	ssyncadd.s32 $0xFFFFFE00  }
0x14: {  	[tilespmem:s9], [sflag:$0x1] =	stream.linear.gather [hbm4b:s7+s6], $0x2000, $0x38;
	[tilespmem:$0x2308] =	vst v63  }
0x15: {  	_ =	swait.ge [sflag:s29], $0x2000  }
0x16: {  	[sflag:s29] =	ssyncset.done $0x0  }
0x17: {  	[sflag:s29] =	ssyncadd.s32 $0xFFFFE000  }
0x18: {  	v57 =	vld [tilespmem:$0x0];
	_ =	sdelay $0x1  }
0x19: {  	v1 =	vld [tilespmem:$0x80];
	_ =	sdelay $0x1  }
0x1a: {  	v2 =	vlaneseq.u32;
	v3 =	vld [tilespmem:$0x100]  }
0x1b: {  	(xrf1) =	vsort.ascd.msk.f32 $0xffff, v57, v2  }
0x1c: {  	v58 =	vld [tilespmem:$0x180]  }
0x1d: {  	(xrf1) =	vsort.ascd.msk.f32 $0xffff, v1, v2;
	_ =	sdelay $0x1  }
0x1e: {  	(xrf1) =	vsort.ascd.msk.f32 $0xffff, v3, v2;
	_ =	sdelay $0x1  }
0x1f: {  	(xrf1) =	vsort.ascd.msk.f32 $0xffff, v58, v2;
	_ =	sdelay $0x7  }
0x20: {  	_, v59, _ =	vpop (xrf1)  }
0x21: {  	v0 =	vshll.u32 v59, $0x7  }
0x22: {  	_, v1, _ =	vpop (xrf1);
	v0 =	vor.u32 v2, v0  }
0x23: {  	v60 =	vor.u32 $0x800, v2;
	v1 =	vshll.u32 v1, $0x7  }
0x24: {  	_, v4, _ =	vpop (xrf1);
	v1 =	vadd.s32 v60, v1  }
0x25: {  	v62 =	vor.u32 $0x1000, v2;
	v61 =	vshll.u32 v4, $0x7  }
0x26: {  	_, v63, _ =	vpop (xrf1);
	v3 =	vadd.s32 v62, v61  }
0x27: {  	v5 =	vor.u32 $0x1800, v2;
	v4 =	vshll.u32 v63, $0x7;
	v0 =	vld.idx.msk [tilespmem:v0+s9+$0x0], $0xffff  }
0x28: {  	v4 =	vadd.s32 v5, v4  }
0x29: {  	v1 =	vld.idx.msk [tilespmem:v1+s9+$0x0], $0xffff;
	_ =	sdelay $0x1  }
0x2a: {  	v3 =	vld.idx.msk [tilespmem:v3+s9+$0x0], $0xffff  }
0x2b: {  	v0 =	vadd.f32 $0.0e+00, v0  }
0x2c: {  	v4 =	vld.idx.msk [tilespmem:v4+s9+$0x0], $0xffff  }
0x2d: {  	v0 =	vadd.f32 v1, v0;
	_ =	sdelay $0x1  }
0x2e: {  	v0 =	vadd.f32 v3, v0;
	_ =	sdelay $0x1  }
0x2f: {  	v0 =	vadd.f32 v4, v0;
	_ =	sdelay $0x1  }
0x30: {  	vm0 =	vmmov $0xffff;
	s31 =	simm.s32 $0x2200;
	[tilespmem:$0x2200] =	vst v0  }
0x31: {  	[spmem:s5] =	stream.indirect_vreg.scatter.add.f32 [tilespmem:s31], [sflag:$0x1], $0x1, v2, vm0, $0xb8;
	[tilespmem:$0x2308] =	vst v63  }
0x32: {  	_ =	swait.ge [sflag:s29], $0x10  }
0x33: {  	[sflag:s29] =	ssyncset.done $0x0  }
0x34: {  	[sflag:s29] =	ssyncadd.s32 $0xFFFFFFF0  }
0x35: {  	[bflag:$0x0] =	sbarrier.arrive $0xFFFF  }
0x36: {  	[tilespmem:s3], [sflag:$0x1] =	stream.linear.gather @!p0 [spmem:s5], $0x80, $0x38;
	[tilespmem:$0x2308] =	vst v63  }
0x37: {  	_ =	swait.ge @!p0 [sflag:s2], $0x80  }
0x38: {  	s4 =	sadd.s32 $0x5200, s4;
	[sflag:s2] =	ssyncset.done @!p0 $0x0  }
0x39: {  	s6 =	simm.s32 @!p0 $0x2280;
	s5 =	simm.s32 @!p0 $0x0;
	[sflag:s2] =	ssyncadd.s32 @!p0 $0xFFFFFF80  }
0x3a: {  	[tilespmem:s6], [sflag:$0x1] =	stream.linear.gather @!p0 [hbm4b:s4+s5], $0x80, $0x38;
	[tilespmem:$0x2308] =	vst v63  }
0x3b: {  	_ =	swait.ge @!p0 [sflag:s2], $0x80  }
0x3c: {  	[sflag:s2] =	ssyncset.done @!p0 $0x0  }
0x3d: {  	[sflag:s2] =	ssyncadd.s32 @!p0 $0xFFFFFF80  }
0x3e: {  	v0 =	vld @!p0 [tilespmem:$0x2200]  }
0x3f: {  	v1 =	vld @!p0 [tilespmem:$0x2280];
	_ =	sdelay $0x3  }
0x40: {  	(xrf2) =	vadd.scan.msk.f32 @!p0 $0xffff, v0  }
0x41: {  	(xrf2) =	vadd.scan.msk.f32 @!p0 $0xffff, v1;
	_ =	sdelay $0x8  }
0x42: {  	v0, _, _ =	vpop @!p0 (xrf2)  }
0x43: {  	(v2sf) =	vpush @!p0 v0, $0xF;
	v0, _, _ =	vpop @!p0 (xrf2)  }
0x44: {  	(v2sf) =	vpush @!p0 v0, $0xF;
	_ =	sdelay $0xd  }
0x45: {  	s4 =	spop @!p0 (v2sf)  }
0x46: {  	s6 =	spop @!p0 (v2sf)  }
0x47: {  	s6 =	smul.f32 @!p0 $6.250000000e-02, s6;
	_ =	sdelay $0x1  }
0x48: {  	s4 =	ssub.f32 @!p0 s6, s4;
	_ =	sdelay $0x1  }
0x49: {  	s4 =	smul.f32 @!p0 $2.384185790e-07, s4;
	_ =	sdelay $0x1  }
0x4a: {  	v0 =	vmov @!p0 s4  }
0x4b: {  	[tilespmem:$0x2200] =	vst @!p0 v0  }
0x4c: {  	[hbm4b:s1+s5] =	stream.linear.scatter @!p0 [tilespmem:s3], [sflag:$0x1], $0x80, $0x38;
	[tilespmem:$0x2308] =	vst v63  }
0x4d: {  	_ =	swait.ge @!p0 [sflag:s2], $0x80  }
0x4e: {  	[sflag:s2] =	ssyncset.done @!p0 $0x0  }
0x4f: {  	[sflag:s2] =	ssyncadd.s32 @!p0 $0xFFFFFF80  }
.LBB2_2:
0x50: {  	_ =	sfence.sel $0x180000  }
0x51: {  	[bflag:$0x0] =	sbarrier.arrive $0xFFFF  }
0x52: {  	_ =	strace $0x90000047  }
0x53: {  	s0 =	sadd.s32 @!p0 $0x100000, s0;
	[bflag:$0x2] =	sbarrier.arrive $0xFFFF  }
0x54: {  	[sflag:s0] =	ssyncadd.tile.s32 @!p0 $0x1;
	_ =	shalt  }
.Lfunc_end2:
_tile_overlayer_lowered:
.L_overlay_start_2:
0x55: {  	(tag) =	ssettag $0x2  }
0x56: {  	s0 =	rddreg [dreg:$0x0];
	s2 =	stileid.u32  }
0x57: {  	s1 =	rddreg [dreg:$0x1];
	p0 =	sne.s32 s2, $0x0  }
0x58: {  	s3 =	rddreg [dreg:$0x2];
	[bflag:$0x3] =	sbarrier.arrive $0xFFFF;
	s2 =	simm.s32 @!p0 $0x1C01  }
0x59: {  	[timem:s3], [sflag:s2] =	dma.local @!p0 [hbm:s0], s1  }
0x5a: {  	s0 =	simm.s32 @!p0 $0x1  }
0x5b: {  	_ =	swait.ge @!p0 [sflag:s0], s1  }
0x5c: {  	s1 =	ssub.s32 @!p0 $0x0, s1;
	[sflag:s0] =	ssyncset.done @!p0 $0x0  }
0x5d: {  	[sflag:s0] =	ssyncadd.s32 @!p0 s1  }
0x5e: {  	[bflag:$0x3] =	sbarrier.arrive $0xFFFF  }
0x5f: {  	_ =	shalt  }

</sc_bundles>
